<compile_context>
chip_gen: v7x
topology: tpu7x:2x2x1
jax: 0.10.2.dev20260603
libtpu: 0.0.44.dev20260713+nightly
codegen_flags: <defaults>
</compile_context>

<pallas_src>
import functools

import jax
import jax.numpy as jnp
from jax import lax
from jax.experimental import pallas as pl

B, N, C, M = 2, 20000, 80, 100
MP = 128
BN = 5000
NBLK = N // BN
ALPHA, GAMMA = 0.25, 2.0
OTA_K = 10
FINF = float("inf")
IBIG = 2**30


def _cost_iou_block(lg, pb, gt, lab, img):
    prob = jax.nn.sigmoid(lg)
    ci = lax.broadcasted_iota(jnp.int32, (C, MP), 0)
    oh = (ci == lab).astype(jnp.float32)
    pos = lax.dot_general(prob, oh, (((1,), (0,)), ((), ())),
                          preferred_element_type=jnp.float32,
                          precision=lax.Precision.HIGHEST)
    neg = 1.0 - pos
    cost_class = (ALPHA * neg ** GAMMA * (-jnp.log(pos + 1e-8))
                  - (1.0 - ALPHA) * pos ** GAMMA * (-jnp.log(neg + 1e-8)))

    px1 = pb[:, 0:1]
    py1 = pb[:, 1:2]
    px2 = pb[:, 2:3]
    py2 = pb[:, 3:4]
    gx1 = gt[0:1, :]
    gy1 = gt[1:2, :]
    gx2 = gt[2:3, :]
    gy2 = gt[3:4, :]
    i0 = img[0, 0]
    i1 = img[0, 1]
    i2 = img[0, 2]
    i3 = img[0, 3]
    d0 = jnp.abs(px1 / i0 - gx1 / i0)
    d1 = jnp.abs(py1 / i1 - gy1 / i1)
    d2 = jnp.abs(px2 / i2 - gx2 / i2)
    d3 = jnp.abs(py2 / i3 - gy2 / i3)
    cost_bbox = (d0 + d2) + (d1 + d3)

    ltx = jnp.maximum(px1, gx1)
    lty = jnp.maximum(py1, gy1)
    rbx = jnp.minimum(px2, gx2)
    rby = jnp.minimum(py2, gy2)
    wi = jnp.maximum(rbx - ltx, 0.0)
    hi = jnp.maximum(rby - lty, 0.0)
    inter = wi * hi
    area_p = (px2 - px1) * (py2 - py1)
    area_g = (gx2 - gx1) * (gy2 - gy1)
    union = area_p + area_g - inter
    iou = inter / (union + 1e-8)
    lmx = jnp.minimum(px1, gx1)
    lmy = jnp.minimum(py1, gy1)
    rmx = jnp.maximum(px2, gx2)
    rmy = jnp.maximum(py2, gy2)
    we = jnp.maximum(rmx - lmx, 0.0)
    he = jnp.maximum(rmy - lmy, 0.0)
    area_e = we * he
    giou = iou - (area_e - union) / (area_e + 1e-8)
    cost = 1.0 * cost_class + 5.0 * cost_bbox + 2.0 * (1.0 - giou)
    return cost, iou


def _pass_a_kernel(lg_ref, pb_ref, gt_ref, lab_ref, img_ref,
                   cost_ref, sf_ref, si_ref,
                   tv, ti, uv, uc):
    i = pl.program_id(1)
    base = i * BN
    io16 = lax.broadcasted_iota(jnp.int32, (16, MP), 0)
    iob = lax.broadcasted_iota(jnp.int32, (BN, MP), 0)

    @pl.when(i == 0)
    def _init():
        tv[...] = jnp.full((16, MP), FINF, jnp.float32)
        ti[...] = jnp.zeros((16, MP), jnp.int32)
        uv[...] = jnp.full((16, MP), FINF, jnp.float32)
        uc[...] = jnp.zeros((16, MP), jnp.int32)

    cost, iou = _cost_iou_block(lg_ref[0], pb_ref[0], gt_ref[0], lab_ref[0], img_ref)
    cost_ref[0] = cost

    tvv = tv[...]
    tiv = ti[...]
    x = cost
    ntv = jnp.full((16, MP), FINF, jnp.float32)
    nti = jnp.zeros((16, MP), jnp.int32)
    for j in range(OTA_K):
        m1 = jnp.min(tvv, axis=0, keepdims=True)
        m2 = jnp.min(x, axis=0, keepdims=True)
        v = jnp.minimum(m1, m2)
        from_tv = m1 <= m2
        r_tv = jnp.min(jnp.where(tvv == v, io16, IBIG), axis=0, keepdims=True)
        i_tv = jnp.min(jnp.where(io16 == r_tv, tiv, IBIG), axis=0, keepdims=True)
        r_x = jnp.min(jnp.where(x == v, iob, IBIG), axis=0, keepdims=True)
        idx = jnp.where(from_tv, i_tv, r_x + base)
        ntv = jnp.where(io16 == j, v, ntv)
        nti = jnp.where(io16 == j, idx, nti)
        tvv = jnp.where(from_tv & (io16 == r_tv), FINF, tvv)
        x = jnp.where(jnp.logical_not(from_tv) & (iob == r_x), FINF, x)
    tv[...] = ntv
    ti[...] = nti

    uvv = uv[...]
    ucv = uc[...]
    x = -iou
    nuv = jnp.full((16, MP), FINF, jnp.float32)
    nuc = jnp.zeros((16, MP), jnp.int32)
    for j in range(OTA_K):
        m1 = jnp.min(uvv, axis=0, keepdims=True)
        m2 = jnp.min(x, axis=0, keepdims=True)
        v = jnp.minimum(m1, m2)
        cx = jnp.sum(jnp.where(x == v, 1, 0), axis=0, keepdims=True)
        cl = jnp.sum(jnp.where(uvv == v, ucv, 0), axis=0, keepdims=True)
        nuv = jnp.where(io16 == j, v, nuv)
        nuc = jnp.where(io16 == j, cx + cl, nuc)
        uvv = jnp.where(uvv == v, FINF, uvv)
        x = jnp.where(x == v, FINF, x)
    uv[...] = nuv
    uc[...] = nuc

    @pl.when(i == NBLK - 1)
    def _fin():
        io16 = lax.broadcasted_iota(jnp.int32, (16, MP), 0)
        uvv = uv[...]
        ucv = uc[...]
        taken = jnp.zeros((1, MP), jnp.int32)
        ssum = jnp.zeros((1, MP), jnp.float32)
        for j in range(OTA_K):
            vj = jnp.sum(jnp.where(io16 == j, uvv, 0.0), axis=0, keepdims=True)
            cj = jnp.sum(jnp.where(io16 == j, ucv, 0), axis=0, keepdims=True)
            tk = jnp.clip(jnp.minimum(cj, OTA_K - taken), 0, OTA_K)
            ssum = ssum + tk.astype(jnp.float32) * vj
            taken = taken + tk
        sum_iou = -ssum
        k = jnp.maximum(sum_iou.astype(jnp.int32), 1)
        tvv = tv[...]
        tiv = ti[...]
        vk = jnp.sum(jnp.where(io16 == (k - 1), tvv, 0.0), axis=0, keepdims=True)
        ik = jnp.sum(jnp.where(io16 == (k - 1), tiv, 0), axis=0, keepdims=True)
        v1 = jnp.sum(jnp.where(io16 == 0, tvv, 0.0), axis=0, keepdims=True)
        p0 = jnp.sum(jnp.where(io16 == 0, tiv, 0), axis=0, keepdims=True)
        zf = jnp.zeros((6, MP), jnp.float32)
        zi = jnp.zeros((6, MP), jnp.int32)
        sf_ref[0] = jnp.concatenate([vk, v1, zf], axis=0)
        si_ref[0] = jnp.concatenate([ik, p0, zi], axis=0)


def _mm_fixed(cost, base, vk, ik):
    rows = lax.broadcasted_iota(jnp.int32, (BN, MP), 0) + base
    lanes = lax.broadcasted_iota(jnp.int32, (BN, MP), 1)
    colm = lanes < M
    sel = (cost < vk) | ((cost == vk) & (rows <= ik))
    mm_f = jnp.where(sel & colm, 1.0, 0.0)
    rs = jnp.sum(mm_f, axis=1, keepdims=True)
    multi = rs > 1.0
    cmask = jnp.where(colm, cost, FINF)
    minr = jnp.min(cmask, axis=1, keepdims=True)
    mc = jnp.min(jnp.where(cmask == minr, lanes, IBIG), axis=1, keepdims=True)
    mmf = jnp.where(multi, jnp.where(lanes == mc, 1.0, 0.0), mm_f)
    mcn = jnp.where(multi, mc, -1)
    return mmf, rows, mcn


def _pass_b_kernel(cost_ref, sf_ref, si_ref, aux_ref, out_ref, acc):
    i = pl.program_id(1)
    base = i * BN

    @pl.when(i == 0)
    def _init():
        acc[...] = jnp.zeros((8, MP), jnp.float32)

    vk = sf_ref[0, 0:1, :]
    ik = si_ref[0, 0:1, :]
    p0 = si_ref[0, 1:2, :]
    cost = cost_ref[0]
    mmf, rows, _ = _mm_fixed(cost, base, vk, ik)
    out = mmf * cost
    out_ref[0] = out[:, :M]
    colsum = jnp.sum(mmf, axis=0, keepdims=True)
    selp = jnp.sum(jnp.where(rows == p0, mmf, 0.0), axis=0, keepdims=True)
    io8 = lax.broadcasted_iota(jnp.int32, (8, MP), 0)
    upd = jnp.where(io8 == 0, colsum, jnp.where(io8 == 1, selp, 0.0))
    acc[...] = acc[...] + upd

    @pl.when(i == NBLK - 1)
    def _fin():
        aux_ref[0] = acc[...]


def _sc_fix_kernel(prelim_hbm, sf_hbm, si_hbm, aux_hbm, out_hbm,
                   sfv, siv, auxv, chunk):
    from jax.experimental.pallas import tpu as pltpu
    from jax.experimental.pallas import tpu_sc as plsc

    wid = lax.axis_index("s") * 2 + lax.axis_index("c")
    cw = (B * N * M) // 32
    base = wid * cw

    pltpu.sync_copy(prelim_hbm.at[pl.ds(base, cw)], chunk)
    for b in range(B):
        pltpu.sync_copy(sf_hbm.at[b], sfv)
        pltpu.sync_copy(si_hbm.at[b], siv)
        pltpu.sync_copy(aux_hbm.at[b], auxv)
        for c in range(7):
            m = lax.iota(jnp.int32, 16) + 16 * c
            me = jnp.minimum(m, M - 1)
            r0 = jnp.zeros((16,), jnp.int32)
            r1 = jnp.ones((16,), jnp.int32)
            v1 = plsc.load_gather(sfv, [r1, me])
            p0 = plsc.load_gather(siv, [r1, me])
            colsum = plsc.load_gather(auxv, [r0, me])
            selp = plsc.load_gather(auxv, [r1, me])
            keep = jnp.maximum(selp, jnp.where(colsum == 0.0, 1.0, 0.0))
            w = v1 * jnp.minimum(keep, 1.0)
            idx = (b * N + p0) * M + me
            msk = (idx >= base) & (idx < base + cw)
            lidx = jnp.clip(idx - base, 0, cw - 1)
            plsc.store_scatter(chunk, [lidx], w, mask=msk)
    pltpu.sync_copy(chunk, out_hbm.at[pl.ds(base, cw)])


@functools.partial(jax.jit, static_argnames=())
def kernel(pred_logits, pred_boxes, gt_boxes_xyxy, image_size_xyxy, gt_labels):
    f32 = jnp.float32
    dummy = jnp.array([0.0, 0.0, 8.0, 8.0], f32)
    gtb_pad = jnp.concatenate(
        [gt_boxes_xyxy.astype(f32), jnp.broadcast_to(dummy, (B, MP - M, 4))], axis=1)
    gtb_t = jnp.transpose(gtb_pad, (0, 2, 1))
    gtb_t = jnp.concatenate([gtb_t, jnp.zeros((B, 4, MP), f32)], axis=1)
    lab3 = jnp.concatenate(
        [gt_labels.astype(jnp.int32), jnp.zeros((B, MP - M), jnp.int32)], axis=1)[:, None, :]
    img = jnp.concatenate([image_size_xyxy.astype(f32), jnp.zeros((4,), f32)])[None, :]

    cost_buf, sf, si = _run_pass_a(pred_logits, pred_boxes, gtb_t, lab3, img)

    aux, prelim = _run_pass_b(cost_buf, sf, si)
    fixed = _run_sc_fix(prelim.reshape((B * N * M,)), sf, si, aux)
    return fixed.reshape((B, N, M))


def _run_pass_a(pred_logits, pred_boxes, gtb_t, lab3, img):
    from jax.experimental.pallas import tpu as pltpu
    return pl.pallas_call(
        _pass_a_kernel,
        grid=(B, NBLK),
        in_specs=[
            pl.BlockSpec((1, BN, C), lambda b, i: (b, i, 0)),
            pl.BlockSpec((1, BN, 4), lambda b, i: (b, i, 0)),
            pl.BlockSpec((1, 8, MP), lambda b, i: (b, 0, 0)),
            pl.BlockSpec((1, 1, MP), lambda b, i: (b, 0, 0)),
            pl.BlockSpec((1, 8), lambda b, i: (0, 0)),
        ],
        out_specs=[
            pl.BlockSpec((1, BN, MP), lambda b, i: (b, i, 0)),
            pl.BlockSpec((1, 8, MP), lambda b, i: (b, 0, 0)),
            pl.BlockSpec((1, 8, MP), lambda b, i: (b, 0, 0)),
        ],
        out_shape=[
            jax.ShapeDtypeStruct((B, N, MP), jnp.float32),
            jax.ShapeDtypeStruct((B, 8, MP), jnp.float32),
            jax.ShapeDtypeStruct((B, 8, MP), jnp.int32),
        ],
        scratch_shapes=[
            pltpu.VMEM((16, MP), jnp.float32),
            pltpu.VMEM((16, MP), jnp.int32),
            pltpu.VMEM((16, MP), jnp.float32),
            pltpu.VMEM((16, MP), jnp.int32),
        ],
    )(pred_logits, pred_boxes, gtb_t, lab3, img)


def _run_pass_b(cost_buf, sf, si):
    from jax.experimental.pallas import tpu as pltpu
    return pl.pallas_call(
        _pass_b_kernel,
        grid=(B, NBLK),
        in_specs=[
            pl.BlockSpec((1, BN, MP), lambda b, i: (b, i, 0)),
            pl.BlockSpec((1, 8, MP), lambda b, i: (b, 0, 0)),
            pl.BlockSpec((1, 8, MP), lambda b, i: (b, 0, 0)),
        ],
        out_specs=[
            pl.BlockSpec((1, 8, MP), lambda b, i: (b, 0, 0)),
            pl.BlockSpec((1, BN, M), lambda b, i: (b, i, 0)),
        ],
        out_shape=[
            jax.ShapeDtypeStruct((B, 8, MP), jnp.float32),
            jax.ShapeDtypeStruct((B, N, M), jnp.float32),
        ],
        scratch_shapes=[pltpu.VMEM((8, MP), jnp.float32)],
    )(cost_buf, sf, si)


@functools.partial(jax.jit, donate_argnums=(0,))
def _run_sc_fix(prelim_flat, sf, si, aux):
    from jax.experimental.pallas import tpu as pltpu
    from jax.experimental.pallas import tpu_sc as plsc
    mesh = plsc.VectorSubcoreMesh(core_axis_name="c", subcore_axis_name="s", num_cores=2)
    fn = pl.kernel(
        _sc_fix_kernel,
        out_type=jax.ShapeDtypeStruct((B * N * M,), jnp.float32),
        mesh=mesh,
        compiler_params=pltpu.CompilerParams(needs_layout_passes=False),
        scratch_types=[
            pltpu.VMEM((8, MP), jnp.float32),
            pltpu.VMEM((8, MP), jnp.int32),
            pltpu.VMEM((8, MP), jnp.float32),
            pltpu.VMEM(((B * N * M) // 32,), jnp.float32),
        ],
    )
    return fn(prelim_flat, sf, si, aux)

# --- scband reference (transcript-rebuilt; emitter-appended) ---
"""Pipeline reference for scband-matcher-dynamic-k-87187836109449 (READ-ONLY COPY).

The authoritative reference and input builder live on the scoring server;
editing this copy changes nothing except your own understanding.
"""

import jax, jax.numpy as jnp
import numpy as np

B, N, C, M = 2, 20000, 80, 100
IMG = 1024.0
COST_CLASS, COST_BBOX, COST_GIOU, OTA_K = 1.0, 5.0, 2.0, 10


def _area(b):
    return (b[..., 2] - b[..., 0]) * (b[..., 3] - b[..., 1])


def box_iou(a, b):
    lt = jnp.maximum(a[:, None, :2], b[None, :, :2])
    rb = jnp.minimum(a[:, None, 2:], b[None, :, 2:])
    wh = jnp.clip(rb - lt, 0.0)
    inter = wh[..., 0] * wh[..., 1]
    union = _area(a)[:, None] + _area(b)[None, :] - inter
    return inter / (union + 1e-8), union


def generalized_box_iou(a, b):
    iou, union = box_iou(a, b)
    lt = jnp.minimum(a[:, None, :2], b[None, :, :2])
    rb = jnp.maximum(a[:, None, 2:], b[None, :, 2:])
    wh = jnp.clip(rb - lt, 0.0)
    area = wh[..., 0] * wh[..., 1]
    return iou - (area - union) / (area + 1e-8)


def _cost_single(logits_b, p_xyxy, gt_ids, gt_xyxy, img_wh):
    p_prob = jax.nn.sigmoid(logits_b)
    pos = p_prob[:, gt_ids]
    neg = 1.0 - pos
    alpha, gamma = 0.25, 2.0
    cost_class = alpha * neg ** gamma * (-jnp.log(pos + 1e-8)) - (1.0 - alpha) * pos ** gamma * (-jnp.log(neg + 1e-8))
    p_n = p_xyxy / img_wh
    g_n = gt_xyxy / img_wh
    cost_bbox = jnp.sum(jnp.abs(p_n[:, None, :] - g_n[None, :, :]), axis=-1)
    giou = generalized_box_iou(p_xyxy, gt_xyxy)
    return COST_CLASS * cost_class + COST_BBOX * cost_bbox + COST_GIOU * (1.0 - giou)


def _match_single(cost, ious):
    n, m = cost.shape
    k = min(OTA_K, n)
    topk_ious = -jnp.sort(-ious, axis=0)[:k]
    dynamic_ks = jnp.clip(topk_ious.sum(0).astype(jnp.int32), 1)
    ranks = jnp.argsort(jnp.argsort(cost, axis=0), axis=0)
    mm = (ranks < dynamic_ks[None, :]).astype(jnp.float32)
    multi = mm.sum(1) > 1
    mc = cost.argmin(1)
    mm = jnp.where(multi[:, None], jax.nn.one_hot(mc, m, dtype=jnp.float32), mm)
    empty = mm.sum(0) == 0
    p = cost.argmin(0)
    mm = jnp.where(empty[None, :], jax.nn.one_hot(p, n, dtype=jnp.float32).T, mm)
    return mm


def setup_inputs(seed: int = 0):
    key = jax.random.key(seed)
    k1, k2, k3, k4, k5, k6 = jax.random.split(key, 6)
    pred_logits = jax.random.normal(k1, (B, N, C), dtype=jnp.float32)
    pxy = jax.random.uniform(k2, (B, N, 2), minval=0.0, maxval=IMG - 1.0)
    pwh = jax.random.uniform(k3, (B, N, 2), minval=1.0, maxval=256.0)
    pred_boxes = jnp.concatenate([pxy, jnp.minimum(pxy + pwh, IMG)], axis=-1)
    gxy = jax.random.uniform(k4, (B, M, 2), minval=0.0, maxval=IMG - 1.0)
    gwh = jax.random.uniform(k5, (B, M, 2), minval=8.0, maxval=320.0)
    gt_boxes_xyxy = jnp.concatenate([gxy, jnp.minimum(gxy + gwh, IMG)], axis=-1)
    gt_labels = jax.random.randint(k6, (B, M), 0, C)
    image_size_xyxy = jnp.array([IMG, IMG, IMG, IMG], dtype=jnp.float32)
    return {"pred_logits": pred_logits, "pred_boxes": pred_boxes, "gt_boxes_xyxy": gt_boxes_xyxy, "image_size_xyxy": image_size_xyxy, "gt_labels": gt_labels}


def reference(pred_logits, pred_boxes, gt_boxes_xyxy, image_size_xyxy, gt_labels):
    outs = []
    for b in range(pred_logits.shape[0]):
        cost = _cost_single(pred_logits[b], pred_boxes[b], gt_labels[b], gt_boxes_xyxy[b], image_size_xyxy)
        ious, _ = box_iou(pred_boxes[b], gt_boxes_xyxy[b])
        mm = _match_single(cost, ious)
        outs.append(mm * cost)
    return jnp.stack(outs)

if __name__ == "__main__":
    import jax
    _d = setup_inputs()
    print(jax.jit(kernel)(*tuple(_d.values())))

</pallas_src>

<mosaic_0001>
#map = affine_map<(d0, d1) -> (0)>
#map1 = affine_map<(d0, d1) -> (0, 0, 0)>
module attributes {stable_mosaic.version = 14 : i64} {
  func.func @_sc_fix_kernel(%arg0: i32, %arg1: i32, %arg2: memref<4000000xf32, #tpu.memory_space<hbm>>, %arg3: memref<2x8x128xf32, #tpu.memory_space<hbm>>, %arg4: memref<2x8x128xi32, #tpu.memory_space<hbm>>, %arg5: memref<2x8x128xf32, #tpu.memory_space<hbm>>, %arg6: memref<4000000xf32, #tpu.memory_space<hbm>>, %arg7: memref<8x128xf32, #tpu.memory_space<vmem>>, %arg8: memref<8x128xi32, #tpu.memory_space<vmem>>, %arg9: memref<8x128xf32, #tpu.memory_space<vmem>>, %arg10: memref<125000xf32, #tpu.memory_space<vmem>>) attributes {dimension_semantics = [#tpu.dimension_semantics<core_parallel>, #tpu.dimension_semantics<subcore_parallel>], iteration_bounds = array<i64: 2, 16>, scalar_prefetch = 0 : i64, scratch_operands = 4 : i64, tpu.core_type = #tpu.core_type<sc_vector_subcore>, window_params = [{transform_indices = #map}, {transform_indices = #map1}, {transform_indices = #map1}, {transform_indices = #map1}, {transform_indices = #map}]} {
    %mul3A = arith.constant 2 : i32
    %mul3A_0 = arith.muli %arg1, %mul3A : i32
    %add3A = arith.addi %mul3A_0, %arg0 : i32
    %mul3A_1 = arith.constant 125000 : i32
    %mul3A_2 = arith.muli %add3A, %mul3A_1 : i32
    "tpu.region"() ({
      %run_scoped3A_696 = tpu.sem_alloc : memref<!tpu.dma_semaphore, #tpu.memory_space<semaphore_mem>>
      %dma_start3A = tpu.memref_slice %arg2[%mul3A_2] : memref<4000000xf32, #tpu.memory_space<hbm>> -> memref<125000xf32, #tpu.memory_space<hbm>>
      %dma_start3A_697 = tpu.memref_slice %arg2[%mul3A_2] : memref<4000000xf32, #tpu.memory_space<hbm>> -> memref<125000xf32, #tpu.memory_space<hbm>>
      tpu.enqueue_dma source(%dma_start3A_697 : memref<125000xf32, #tpu.memory_space<hbm>>) target(%arg10 : memref<125000xf32, #tpu.memory_space<vmem>>) target_semaphore(%run_scoped3A_696 : memref<!tpu.dma_semaphore, #tpu.memory_space<semaphore_mem>>)
      %dma_wait3A = tpu.memref_slice %arg2[%mul3A_2] : memref<4000000xf32, #tpu.memory_space<hbm>> -> memref<125000xf32, #tpu.memory_space<hbm>>
      %dma_wait3A_698 = tpu.memref_slice %arg2[%mul3A_2] : memref<4000000xf32, #tpu.memory_space<hbm>> -> memref<125000xf32, #tpu.memory_space<hbm>>
      tpu.wait_dma2 semaphore(%run_scoped3A_696 : memref<!tpu.dma_semaphore, #tpu.memory_space<semaphore_mem>>) src(%dma_wait3A_698 : memref<125000xf32, #tpu.memory_space<hbm>>) dst(%arg10 : memref<125000xf32, #tpu.memory_space<vmem>>)
      tpu.yield
    }) : () -> ()
    %run_scoped3A = arith.constant 0 : i32
    "tpu.region"() ({
      %run_scoped3A_696 = tpu.sem_alloc : memref<!tpu.dma_semaphore, #tpu.memory_space<semaphore_mem>>
      %dma_start3A = arith.constant 0 : i32
      %dma_start3A_697 = arith.constant 0 : i32
      %dma_start3A_698 = tpu.memref_slice %arg3[%run_scoped3A, %dma_start3A, %dma_start3A_697] : memref<2x8x128xf32, #tpu.memory_space<hbm>> -> memref<1x8x128xf32, #tpu.memory_space<hbm>>
      %dma_start3A_699 = tpu.memref_squeeze %dma_start3A_698 : memref<1x8x128xf32, #tpu.memory_space<hbm>> -> memref<8x128xf32, #tpu.memory_space<hbm>>
      %dma_start3A_700 = arith.constant 0 : i32
      %dma_start3A_701 = arith.constant 0 : i32
      %dma_start3A_702 = tpu.memref_slice %arg3[%run_scoped3A, %dma_start3A_700, %dma_start3A_701] : memref<2x8x128xf32, #tpu.memory_space<hbm>> -> memref<1x8x128xf32, #tpu.memory_space<hbm>>
      %dma_start3A_703 = tpu.memref_squeeze %dma_start3A_702 : memref<1x8x128xf32, #tpu.memory_space<hbm>> -> memref<8x128xf32, #tpu.memory_space<hbm>>
      tpu.enqueue_dma source(%dma_start3A_703 : memref<8x128xf32, #tpu.memory_space<hbm>>) target(%arg7 : memref<8x128xf32, #tpu.memory_space<vmem>>) target_semaphore(%run_scoped3A_696 : memref<!tpu.dma_semaphore, #tpu.memory_space<semaphore_mem>>)
      %dma_wait3A = arith.constant 0 : i32
      %dma_wait3A_704 = arith.constant 0 : i32
      %dma_wait3A_705 = tpu.memref_slice %arg3[%run_scoped3A, %dma_wait3A, %dma_wait3A_704] : memref<2x8x128xf32, #tpu.memory_space<hbm>> -> memref<1x8x128xf32, #tpu.memory_space<hbm>>
      %dma_wait3A_706 = tpu.memref_squeeze %dma_wait3A_705 : memref<1x8x128xf32, #tpu.memory_space<hbm>> -> memref<8x128xf32, #tpu.memory_space<hbm>>
      %dma_wait3A_707 = arith.constant 0 : i32
      %dma_wait3A_708 = arith.constant 0 : i32
      %dma_wait3A_709 = tpu.memref_slice %arg3[%run_scoped3A, %dma_wait3A_707, %dma_wait3A_708] : memref<2x8x128xf32, #tpu.memory_space<hbm>> -> memref<1x8x128xf32, #tpu.memory_space<hbm>>
      %dma_wait3A_710 = tpu.memref_squeeze %dma_wait3A_709 : memref<1x8x128xf32, #tpu.memory_space<hbm>> -> memref<8x128xf32, #tpu.memory_space<hbm>>
      tpu.wait_dma2 semaphore(%run_scoped3A_696 : memref<!tpu.dma_semaphore, #tpu.memory_space<semaphore_mem>>) src(%dma_wait3A_710 : memref<8x128xf32, #tpu.memory_space<hbm>>) dst(%arg7 : memref<8x128xf32, #tpu.memory_space<vmem>>)
      tpu.yield
    }) : () -> ()
    %run_scoped3A_3 = arith.constant 0 : i32
    "tpu.region"() ({
      %run_scoped3A_696 = tpu.sem_alloc : memref<!tpu.dma_semaphore, #tpu.memory_space<semaphore_mem>>
      %dma_start3A = arith.constant 0 : i32
      %dma_start3A_697 = arith.constant 0 : i32
      %dma_start3A_698 = tpu.memref_slice %arg4[%run_scoped3A_3, %dma_start3A, %dma_start3A_697] : memref<2x8x128xi32, #tpu.memory_space<hbm>> -> memref<1x8x128xi32, #tpu.memory_space<hbm>>
      %dma_start3A_699 = tpu.memref_squeeze %dma_start3A_698 : memref<1x8x128xi32, #tpu.memory_space<hbm>> -> memref<8x128xi32, #tpu.memory_space<hbm>>
      %dma_start3A_700 = arith.constant 0 : i32
      %dma_start3A_701 = arith.constant 0 : i32
      %dma_start3A_702 = tpu.memref_slice %arg4[%run_scoped3A_3, %dma_start3A_700, %dma_start3A_701] : memref<2x8x128xi32, #tpu.memory_space<hbm>> -> memref<1x8x128xi32, #tpu.memory_space<hbm>>
      %dma_start3A_703 = tpu.memref_squeeze %dma_start3A_702 : memref<1x8x128xi32, #tpu.memory_space<hbm>> -> memref<8x128xi32, #tpu.memory_space<hbm>>
      tpu.enqueue_dma source(%dma_start3A_703 : memref<8x128xi32, #tpu.memory_space<hbm>>) target(%arg8 : memref<8x128xi32, #tpu.memory_space<vmem>>) target_semaphore(%run_scoped3A_696 : memref<!tpu.dma_semaphore, #tpu.memory_space<semaphore_mem>>)
      %dma_wait3A = arith.constant 0 : i32
      %dma_wait3A_704 = arith.constant 0 : i32
      %dma_wait3A_705 = tpu.memref_slice %arg4[%run_scoped3A_3, %dma_wait3A, %dma_wait3A_704] : memref<2x8x128xi32, #tpu.memory_space<hbm>> -> memref<1x8x128xi32, #tpu.memory_space<hbm>>
      %dma_wait3A_706 = tpu.memref_squeeze %dma_wait3A_705 : memref<1x8x128xi32, #tpu.memory_space<hbm>> -> memref<8x128xi32, #tpu.memory_space<hbm>>
      %dma_wait3A_707 = arith.constant 0 : i32
      %dma_wait3A_708 = arith.constant 0 : i32
      %dma_wait3A_709 = tpu.memref_slice %arg4[%run_scoped3A_3, %dma_wait3A_707, %dma_wait3A_708] : memref<2x8x128xi32, #tpu.memory_space<hbm>> -> memref<1x8x128xi32, #tpu.memory_space<hbm>>
      %dma_wait3A_710 = tpu.memref_squeeze %dma_wait3A_709 : memref<1x8x128xi32, #tpu.memory_space<hbm>> -> memref<8x128xi32, #tpu.memory_space<hbm>>
      tpu.wait_dma2 semaphore(%run_scoped3A_696 : memref<!tpu.dma_semaphore, #tpu.memory_space<semaphore_mem>>) src(%dma_wait3A_710 : memref<8x128xi32, #tpu.memory_space<hbm>>) dst(%arg8 : memref<8x128xi32, #tpu.memory_space<vmem>>)
      tpu.yield
    }) : () -> ()
    %run_scoped3A_4 = arith.constant 0 : i32
    "tpu.region"() ({
      %run_scoped3A_696 = tpu.sem_alloc : memref<!tpu.dma_semaphore, #tpu.memory_space<semaphore_mem>>
      %dma_start3A = arith.constant 0 : i32
      %dma_start3A_697 = arith.constant 0 : i32
      %dma_start3A_698 = tpu.memref_slice %arg5[%run_scoped3A_4, %dma_start3A, %dma_start3A_697] : memref<2x8x128xf32, #tpu.memory_space<hbm>> -> memref<1x8x128xf32, #tpu.memory_space<hbm>>
      %dma_start3A_699 = tpu.memref_squeeze %dma_start3A_698 : memref<1x8x128xf32, #tpu.memory_space<hbm>> -> memref<8x128xf32, #tpu.memory_space<hbm>>
      %dma_start3A_700 = arith.constant 0 : i32
      %dma_start3A_701 = arith.constant 0 : i32
      %dma_start3A_702 = tpu.memref_slice %arg5[%run_scoped3A_4, %dma_start3A_700, %dma_start3A_701] : memref<2x8x128xf32, #tpu.memory_space<hbm>> -> memref<1x8x128xf32, #tpu.memory_space<hbm>>
      %dma_start3A_703 = tpu.memref_squeeze %dma_start3A_702 : memref<1x8x128xf32, #tpu.memory_space<hbm>> -> memref<8x128xf32, #tpu.memory_space<hbm>>
      tpu.enqueue_dma source(%dma_start3A_703 : memref<8x128xf32, #tpu.memory_space<hbm>>) target(%arg9 : memref<8x128xf32, #tpu.memory_space<vmem>>) target_semaphore(%run_scoped3A_696 : memref<!tpu.dma_semaphore, #tpu.memory_space<semaphore_mem>>)
      %dma_wait3A = arith.constant 0 : i32
      %dma_wait3A_704 = arith.constant 0 : i32
      %dma_wait3A_705 = tpu.memref_slice %arg5[%run_scoped3A_4, %dma_wait3A, %dma_wait3A_704] : memref<2x8x128xf32, #tpu.memory_space<hbm>> -> memref<1x8x128xf32, #tpu.memory_space<hbm>>
      %dma_wait3A_706 = tpu.memref_squeeze %dma_wait3A_705 : memref<1x8x128xf32, #tpu.memory_space<hbm>> -> memref<8x128xf32, #tpu.memory_space<hbm>>
      %dma_wait3A_707 = arith.constant 0 : i32
      %dma_wait3A_708 = arith.constant 0 : i32
      %dma_wait3A_709 = tpu.memref_slice %arg5[%run_scoped3A_4, %dma_wait3A_707, %dma_wait3A_708] : memref<2x8x128xf32, #tpu.memory_space<hbm>> -> memref<1x8x128xf32, #tpu.memory_space<hbm>>
      %dma_wait3A_710 = tpu.memref_squeeze %dma_wait3A_709 : memref<1x8x128xf32, #tpu.memory_space<hbm>> -> memref<8x128xf32, #tpu.memory_space<hbm>>
      tpu.wait_dma2 semaphore(%run_scoped3A_696 : memref<!tpu.dma_semaphore, #tpu.memory_space<semaphore_mem>>) src(%dma_wait3A_710 : memref<8x128xf32, #tpu.memory_space<hbm>>) dst(%arg9 : memref<8x128xf32, #tpu.memory_space<vmem>>)
      tpu.yield
    }) : () -> ()
    %iota3A = tpu.iota {dimensions = array<i32: 0>} : vector<16xi32>
    %add3A_5 = arith.constant 0 : i32
    %add3A_6 = vector.broadcast %add3A_5 : i32 to vector<16xi32>
    %add3A_7 = arith.addi %iota3A, %add3A_6 : vector<16xi32>
    %min3A = arith.constant 99 : i32
    %min3A_8 = vector.broadcast %min3A : i32 to vector<16xi32>
    %min3A_9 = arith.minsi %add3A_7, %min3A_8 : vector<16xi32>
    %broadcast_in_dim3A = arith.constant 0 : i32
    %broadcast_in_dim3A_10 = vector.broadcast %broadcast_in_dim3A : i32 to vector<16xi32>
    %broadcast_in_dim3A_11 = arith.constant 1 : i32
    %broadcast_in_dim3A_12 = vector.broadcast %broadcast_in_dim3A_11 : i32 to vector<16xi32>
    %gather3A = tpu.vector_load_idx %arg7[%broadcast_in_dim3A_12, %min3A_9] : memref<8x128xf32, #tpu.memory_space<vmem>>[vector<16xi32>, vector<16xi32>], vector<16xf32>,
    %gather3A_13 = tpu.vector_load_idx %arg8[%broadcast_in_dim3A_12, %min3A_9] : memref<8x128xi32, #tpu.memory_space<vmem>>[vector<16xi32>, vector<16xi32>], vector<16xi32>,
    %gather3A_14 = tpu.vector_load_idx %arg9[%broadcast_in_dim3A_10, %min3A_9] : memref<8x128xf32, #tpu.memory_space<vmem>>[vector<16xi32>, vector<16xi32>], vector<16xf32>,
    %gather3A_15 = tpu.vector_load_idx %arg9[%broadcast_in_dim3A_12, %min3A_9] : memref<8x128xf32, #tpu.memory_space<vmem>>[vector<16xi32>, vector<16xi32>], vector<16xf32>,
    %eq3A = arith.constant 0.000000e+00 : f32
    %eq3A_16 = vector.broadcast %eq3A : f32 to vector<16xf32>
    %eq3A_17 = arith.cmpf oeq, %gather3A_14, %eq3A_16 : vector<16xf32>
    %jit3A = arith.constant 1.000000e+00 : f32
    %jit3A_18 = arith.constant 0.000000e+00 : f32
    %broadcast_in_dim3A_19 = vector.broadcast %jit3A : f32 to vector<16xf32>
    %broadcast_in_dim3A_20 = vector.broadcast %jit3A_18 : f32 to vector<16xf32>
    %select_n3A = arith.select %eq3A_17, %broadcast_in_dim3A_19, %broadcast_in_dim3A_20 : vector<16xi1>, vector<16xf32>
    %max3A = arith.maximumf %gather3A_15, %select_n3A : vector<16xf32>
    %min3A_21 = arith.constant 1.000000e+00 : f32
    %min3A_22 = vector.broadcast %min3A_21 : f32 to vector<16xf32>
    %min3A_23 = arith.minimumf %max3A, %min3A_22 : vector<16xf32>
    %mul3A_24 = arith.mulf %gather3A, %min3A_23 : vector<16xf32>
    %add3A_25 = arith.constant 0 : i32
    %add3A_26 = vector.broadcast %add3A_25 : i32 to vector<16xi32>
    %add3A_27 = arith.addi %add3A_26, %gather3A_13 : vector<16xi32>
    %mul3A_28 = arith.constant 100 : i32
    %mul3A_29 = vector.broadcast %mul3A_28 : i32 to vector<16xi32>
    %mul3A_30 = arith.muli %add3A_27, %mul3A_29 : vector<16xi32>
    %add3A_31 = arith.addi %mul3A_30, %min3A_9 : vector<16xi32>
    %ge3A = vector.broadcast %mul3A_2 : i32 to vector<16xi32>
    %ge3A_32 = arith.cmpi sge, %add3A_31, %ge3A : vector<16xi32>
    %add3A_33 = arith.constant 125000 : i32
    %add3A_34 = arith.addi %mul3A_2, %add3A_33 : i32
    %lt3A = vector.broadcast %add3A_34 : i32 to vector<16xi32>
    %lt3A_35 = arith.cmpi slt, %add3A_31, %lt3A : vector<16xi32>
    %and3A = arith.andi %ge3A_32, %lt3A_35 : vector<16xi1>
    %sub3A = vector.broadcast %mul3A_2 : i32 to vector<16xi32>
    %sub3A_36 = arith.subi %add3A_31, %sub3A : vector<16xi32>
    %jit3A_37 = arith.constant 0 : i32
    %jit3A_38 = arith.constant 124999 : i32
    %max3A_39 = vector.broadcast %jit3A_37 : i32 to vector<16xi32>
    %max3A_40 = arith.maxsi %max3A_39, %sub3A_36 : vector<16xi32>
    %min3A_41 = vector.broadcast %jit3A_38 : i32 to vector<16xi32>
    %min3A_42 = arith.minsi %min3A_41, %max3A_40 : vector<16xi32>
    tpu.vector_store_idx %arg10[%min3A_42], %mul3A_24 masked %and3A : memref<125000xf32, #tpu.memory_space<vmem>>[vector<16xi32>], vector<16xf32>, vector<16xi1>
    %iota3A_43 = tpu.iota {dimensions = array<i32: 0>} : vector<16xi32>
    %add3A_44 = arith.constant 16 : i32
    %add3A_45 = vector.broadcast %add3A_44 : i32 to vector<16xi32>
    %add3A_46 = arith.addi %iota3A_43, %add3A_45 : vector<16xi32>
    %min3A_47 = arith.constant 99 : i32
    %min3A_48 = vector.broadcast %min3A_47 : i32 to vector<16xi32>
    %min3A_49 = arith.minsi %add3A_46, %min3A_48 : vector<16xi32>
    %broadcast_in_dim3A_50 = arith.constant 0 : i32
    %broadcast_in_dim3A_51 = vector.broadcast %broadcast_in_dim3A_50 : i32 to vector<16xi32>
    %broadcast_in_dim3A_52 = arith.constant 1 : i32
    %broadcast_in_dim3A_53 = vector.broadcast %broadcast_in_dim3A_52 : i32 to vector<16xi32>
    %gather3A_54 = tpu.vector_load_idx %arg7[%broadcast_in_dim3A_53, %min3A_49] : memref<8x128xf32, #tpu.memory_space<vmem>>[vector<16xi32>, vector<16xi32>], vector<16xf32>,
    %gather3A_55 = tpu.vector_load_idx %arg8[%broadcast_in_dim3A_53, %min3A_49] : memref<8x128xi32, #tpu.memory_space<vmem>>[vector<16xi32>, vector<16xi32>], vector<16xi32>,
    %gather3A_56 = tpu.vector_load_idx %arg9[%broadcast_in_dim3A_51, %min3A_49] : memref<8x128xf32, #tpu.memory_space<vmem>>[vector<16xi32>, vector<16xi32>], vector<16xf32>,
    %gather3A_57 = tpu.vector_load_idx %arg9[%broadcast_in_dim3A_53, %min3A_49] : memref<8x128xf32, #tpu.memory_space<vmem>>[vector<16xi32>, vector<16xi32>], vector<16xf32>,
    %eq3A_58 = arith.constant 0.000000e+00 : f32
    %eq3A_59 = vector.broadcast %eq3A_58 : f32 to vector<16xf32>
    %eq3A_60 = arith.cmpf oeq, %gather3A_56, %eq3A_59 : vector<16xf32>
    %jit3A_61 = arith.constant 1.000000e+00 : f32
    %jit3A_62 = arith.constant 0.000000e+00 : f32
    %broadcast_in_dim3A_63 = vector.broadcast %jit3A_61 : f32 to vector<16xf32>
    %broadcast_in_dim3A_64 = vector.broadcast %jit3A_62 : f32 to vector<16xf32>
    %select_n3A_65 = arith.select %eq3A_60, %broadcast_in_dim3A_63, %broadcast_in_dim3A_64 : vector<16xi1>, vector<16xf32>
    %max3A_66 = arith.maximumf %gather3A_57, %select_n3A_65 : vector<16xf32>
    %min3A_67 = arith.constant 1.000000e+00 : f32
    %min3A_68 = vector.broadcast %min3A_67 : f32 to vector<16xf32>
    %min3A_69 = arith.minimumf %max3A_66, %min3A_68 : vector<16xf32>
    %mul3A_70 = arith.mulf %gather3A_54, %min3A_69 : vector<16xf32>
    %add3A_71 = arith.constant 0 : i32
    %add3A_72 = vector.broadcast %add3A_71 : i32 to vector<16xi32>
    %add3A_73 = arith.addi %add3A_72, %gather3A_55 : vector<16xi32>
    %mul3A_74 = arith.constant 100 : i32
    %mul3A_75 = vector.broadcast %mul3A_74 : i32 to vector<16xi32>
    %mul3A_76 = arith.muli %add3A_73, %mul3A_75 : vector<16xi32>
    %add3A_77 = arith.addi %mul3A_76, %min3A_49 : vector<16xi32>
    %ge3A_78 = vector.broadcast %mul3A_2 : i32 to vector<16xi32>
    %ge3A_79 = arith.cmpi sge, %add3A_77, %ge3A_78 : vector<16xi32>
    %add3A_80 = arith.constant 125000 : i32
    %add3A_81 = arith.addi %mul3A_2, %add3A_80 : i32
    %lt3A_82 = vector.broadcast %add3A_81 : i32 to vector<16xi32>
    %lt3A_83 = arith.cmpi slt, %add3A_77, %lt3A_82 : vector<16xi32>
    %and3A_84 = arith.andi %ge3A_79, %lt3A_83 : vector<16xi1>
    %sub3A_85 = vector.broadcast %mul3A_2 : i32 to vector<16xi32>
    %sub3A_86 = arith.subi %add3A_77, %sub3A_85 : vector<16xi32>
    %jit3A_87 = arith.constant 0 : i32
    %jit3A_88 = arith.constant 124999 : i32
    %max3A_89 = vector.broadcast %jit3A_87 : i32 to vector<16xi32>
    %max3A_90 = arith.maxsi %max3A_89, %sub3A_86 : vector<16xi32>
    %min3A_91 = vector.broadcast %jit3A_88 : i32 to vector<16xi32>
    %min3A_92 = arith.minsi %min3A_91, %max3A_90 : vector<16xi32>
    tpu.vector_store_idx %arg10[%min3A_92], %mul3A_70 masked %and3A_84 : memref<125000xf32, #tpu.memory_space<vmem>>[vector<16xi32>], vector<16xf32>, vector<16xi1>
    %iota3A_93 = tpu.iota {dimensions = array<i32: 0>} : vector<16xi32>
    %add3A_94 = arith.constant 32 : i32
    %add3A_95 = vector.broadcast %add3A_94 : i32 to vector<16xi32>
    %add3A_96 = arith.addi %iota3A_93, %add3A_95 : vector<16xi32>
    %min3A_97 = arith.constant 99 : i32
    %min3A_98 = vector.broadcast %min3A_97 : i32 to vector<16xi32>
    %min3A_99 = arith.minsi %add3A_96, %min3A_98 : vector<16xi32>
    %broadcast_in_dim3A_100 = arith.constant 0 : i32
    %broadcast_in_dim3A_101 = vector.broadcast %broadcast_in_dim3A_100 : i32 to vector<16xi32>
    %broadcast_in_dim3A_102 = arith.constant 1 : i32
    %broadcast_in_dim3A_103 = vector.broadcast %broadcast_in_dim3A_102 : i32 to vector<16xi32>
    %gather3A_104 = tpu.vector_load_idx %arg7[%broadcast_in_dim3A_103, %min3A_99] : memref<8x128xf32, #tpu.memory_space<vmem>>[vector<16xi32>, vector<16xi32>], vector<16xf32>,
    %gather3A_105 = tpu.vector_load_idx %arg8[%broadcast_in_dim3A_103, %min3A_99] : memref<8x128xi32, #tpu.memory_space<vmem>>[vector<16xi32>, vector<16xi32>], vector<16xi32>,
    %gather3A_106 = tpu.vector_load_idx %arg9[%broadcast_in_dim3A_101, %min3A_99] : memref<8x128xf32, #tpu.memory_space<vmem>>[vector<16xi32>, vector<16xi32>], vector<16xf32>,
    %gather3A_107 = tpu.vector_load_idx %arg9[%broadcast_in_dim3A_103, %min3A_99] : memref<8x128xf32, #tpu.memory_space<vmem>>[vector<16xi32>, vector<16xi32>], vector<16xf32>,
    %eq3A_108 = arith.constant 0.000000e+00 : f32
    %eq3A_109 = vector.broadcast %eq3A_108 : f32 to vector<16xf32>
    %eq3A_110 = arith.cmpf oeq, %gather3A_106, %eq3A_109 : vector<16xf32>
    %jit3A_111 = arith.constant 1.000000e+00 : f32
    %jit3A_112 = arith.constant 0.000000e+00 : f32
    %broadcast_in_dim3A_113 = vector.broadcast %jit3A_111 : f32 to vector<16xf32>
    %broadcast_in_dim3A_114 = vector.broadcast %jit3A_112 : f32 to vector<16xf32>
    %select_n3A_115 = arith.select %eq3A_110, %broadcast_in_dim3A_113, %broadcast_in_dim3A_114 : vector<16xi1>, vector<16xf32>
    %max3A_116 = arith.maximumf %gather3A_107, %select_n3A_115 : vector<16xf32>
    %min3A_117 = arith.constant 1.000000e+00 : f32
    %min3A_118 = vector.broadcast %min3A_117 : f32 to vector<16xf32>
    %min3A_119 = arith.minimumf %max3A_116, %min3A_118 : vector<16xf32>
    %mul3A_120 = arith.mulf %gather3A_104, %min3A_119 : vector<16xf32>
    %add3A_121 = arith.constant 0 : i32
    %add3A_122 = vector.broadcast %add3A_121 : i32 to vector<16xi32>
    %add3A_123 = arith.addi %add3A_122, %gather3A_105 : vector<16xi32>
    %mul3A_124 = arith.constant 100 : i32
    %mul3A_125 = vector.broadcast %mul3A_124 : i32 to vector<16xi32>
    %mul3A_126 = arith.muli %add3A_123, %mul3A_125 : vector<16xi32>
    %add3A_127 = arith.addi %mul3A_126, %min3A_99 : vector<16xi32>
    %ge3A_128 = vector.broadcast %mul3A_2 : i32 to vector<16xi32>
    %ge3A_129 = arith.cmpi sge, %add3A_127, %ge3A_128 : vector<16xi32>
    %add3A_130 = arith.constant 125000 : i32
    %add3A_131 = arith.addi %mul3A_2, %add3A_130 : i32
    %lt3A_132 = vector.broadcast %add3A_131 : i32 to vector<16xi32>
    %lt3A_133 = arith.cmpi slt, %add3A_127, %lt3A_132 : vector<16xi32>
    %and3A_134 = arith.andi %ge3A_129, %lt3A_133 : vector<16xi1>
    %sub3A_135 = vector.broadcast %mul3A_2 : i32 to vector<16xi32>
    %sub3A_136 = arith.subi %add3A_127, %sub3A_135 : vector<16xi32>
    %jit3A_137 = arith.constant 0 : i32
    %jit3A_138 = arith.constant 124999 : i32
    %max3A_139 = vector.broadcast %jit3A_137 : i32 to vector<16xi32>
    %max3A_140 = arith.maxsi %max3A_139, %sub3A_136 : vector<16xi32>
    %min3A_141 = vector.broadcast %jit3A_138 : i32 to vector<16xi32>
    %min3A_142 = arith.minsi %min3A_141, %max3A_140 : vector<16xi32>
    tpu.vector_store_idx %arg10[%min3A_142], %mul3A_120 masked %and3A_134 : memref<125000xf32, #tpu.memory_space<vmem>>[vector<16xi32>], vector<16xf32>, vector<16xi1>
    %iota3A_143 = tpu.iota {dimensions = array<i32: 0>} : vector<16xi32>
    %add3A_144 = arith.constant 48 : i32
    %add3A_145 = vector.broadcast %add3A_144 : i32 to vector<16xi32>
    %add3A_146 = arith.addi %iota3A_143, %add3A_145 : vector<16xi32>
    %min3A_147 = arith.constant 99 : i32
    %min3A_148 = vector.broadcast %min3A_147 : i32 to vector<16xi32>
    %min3A_149 = arith.minsi %add3A_146, %min3A_148 : vector<16xi32>
    %broadcast_in_dim3A_150 = arith.constant 0 : i32
    %broadcast_in_dim3A_151 = vector.broadcast %broadcast_in_dim3A_150 : i32 to vector<16xi32>
    %broadcast_in_dim3A_152 = arith.constant 1 : i32
    %broadcast_in_dim3A_153 = vector.broadcast %broadcast_in_dim3A_152 : i32 to vector<16xi32>
    %gather3A_154 = tpu.vector_load_idx %arg7[%broadcast_in_dim3A_153, %min3A_149] : memref<8x128xf32, #tpu.memory_space<vmem>>[vector<16xi32>, vector<16xi32>], vector<16xf32>,
    %gather3A_155 = tpu.vector_load_idx %arg8[%broadcast_in_dim3A_153, %min3A_149] : memref<8x128xi32, #tpu.memory_space<vmem>>[vector<16xi32>, vector<16xi32>], vector<16xi32>,
    %gather3A_156 = tpu.vector_load_idx %arg9[%broadcast_in_dim3A_151, %min3A_149] : memref<8x128xf32, #tpu.memory_space<vmem>>[vector<16xi32>, vector<16xi32>], vector<16xf32>,
    %gather3A_157 = tpu.vector_load_idx %arg9[%broadcast_in_dim3A_153, %min3A_149] : memref<8x128xf32, #tpu.memory_space<vmem>>[vector<16xi32>, vector<16xi32>], vector<16xf32>,
    %eq3A_158 = arith.constant 0.000000e+00 : f32
    %eq3A_159 = vector.broadcast %eq3A_158 : f32 to vector<16xf32>
    %eq3A_160 = arith.cmpf oeq, %gather3A_156, %eq3A_159 : vector<16xf32>
    %jit3A_161 = arith.constant 1.000000e+00 : f32
    %jit3A_162 = arith.constant 0.000000e+00 : f32
    %broadcast_in_dim3A_163 = vector.broadcast %jit3A_161 : f32 to vector<16xf32>
    %broadcast_in_dim3A_164 = vector.broadcast %jit3A_162 : f32 to vector<16xf32>
    %select_n3A_165 = arith.select %eq3A_160, %broadcast_in_dim3A_163, %broadcast_in_dim3A_164 : vector<16xi1>, vector<16xf32>
    %max3A_166 = arith.maximumf %gather3A_157, %select_n3A_165 : vector<16xf32>
    %min3A_167 = arith.constant 1.000000e+00 : f32
    %min3A_168 = vector.broadcast %min3A_167 : f32 to vector<16xf32>
    %min3A_169 = arith.minimumf %max3A_166, %min3A_168 : vector<16xf32>
    %mul3A_170 = arith.mulf %gather3A_154, %min3A_169 : vector<16xf32>
    %add3A_171 = arith.constant 0 : i32
    %add3A_172 = vector.broadcast %add3A_171 : i32 to vector<16xi32>
    %add3A_173 = arith.addi %add3A_172, %gather3A_155 : vector<16xi32>
    %mul3A_174 = arith.constant 100 : i32
    %mul3A_175 = vector.broadcast %mul3A_174 : i32 to vector<16xi32>
    %mul3A_176 = arith.muli %add3A_173, %mul3A_175 : vector<16xi32>
    %add3A_177 = arith.addi %mul3A_176, %min3A_149 : vector<16xi32>
    %ge3A_178 = vector.broadcast %mul3A_2 : i32 to vector<16xi32>
    %ge3A_179 = arith.cmpi sge, %add3A_177, %ge3A_178 : vector<16xi32>
    %add3A_180 = arith.constant 125000 : i32
    %add3A_181 = arith.addi %mul3A_2, %add3A_180 : i32
    %lt3A_182 = vector.broadcast %add3A_181 : i32 to vector<16xi32>
    %lt3A_183 = arith.cmpi slt, %add3A_177, %lt3A_182 : vector<16xi32>
    %and3A_184 = arith.andi %ge3A_179, %lt3A_183 : vector<16xi1>
    %sub3A_185 = vector.broadcast %mul3A_2 : i32 to vector<16xi32>
    %sub3A_186 = arith.subi %add3A_177, %sub3A_185 : vector<16xi32>
    %jit3A_187 = arith.constant 0 : i32
    %jit3A_188 = arith.constant 124999 : i32
    %max3A_189 = vector.broadcast %jit3A_187 : i32 to vector<16xi32>
    %max3A_190 = arith.maxsi %max3A_189, %sub3A_186 : vector<16xi32>
    %min3A_191 = vector.broadcast %jit3A_188 : i32 to vector<16xi32>
    %min3A_192 = arith.minsi %min3A_191, %max3A_190 : vector<16xi32>
    tpu.vector_store_idx %arg10[%min3A_192], %mul3A_170 masked %and3A_184 : memref<125000xf32, #tpu.memory_space<vmem>>[vector<16xi32>], vector<16xf32>, vector<16xi1>
    %iota3A_193 = tpu.iota {dimensions = array<i32: 0>} : vector<16xi32>
    %add3A_194 = arith.constant 64 : i32
    %add3A_195 = vector.broadcast %add3A_194 : i32 to vector<16xi32>
    %add3A_196 = arith.addi %iota3A_193, %add3A_195 : vector<16xi32>
    %min3A_197 = arith.constant 99 : i32
    %min3A_198 = vector.broadcast %min3A_197 : i32 to vector<16xi32>
    %min3A_199 = arith.minsi %add3A_196, %min3A_198 : vector<16xi32>
    %broadcast_in_dim3A_200 = arith.constant 0 : i32
    %broadcast_in_dim3A_201 = vector.broadcast %broadcast_in_dim3A_200 : i32 to vector<16xi32>
    %broadcast_in_dim3A_202 = arith.constant 1 : i32
    %broadcast_in_dim3A_203 = vector.broadcast %broadcast_in_dim3A_202 : i32 to vector<16xi32>
    %gather3A_204 = tpu.vector_load_idx %arg7[%broadcast_in_dim3A_203, %min3A_199] : memref<8x128xf32, #tpu.memory_space<vmem>>[vector<16xi32>, vector<16xi32>], vector<16xf32>,
    %gather3A_205 = tpu.vector_load_idx %arg8[%broadcast_in_dim3A_203, %min3A_199] : memref<8x128xi32, #tpu.memory_space<vmem>>[vector<16xi32>, vector<16xi32>], vector<16xi32>,
    %gather3A_206 = tpu.vector_load_idx %arg9[%broadcast_in_dim3A_201, %min3A_199] : memref<8x128xf32, #tpu.memory_space<vmem>>[vector<16xi32>, vector<16xi32>], vector<16xf32>,
    %gather3A_207 = tpu.vector_load_idx %arg9[%broadcast_in_dim3A_203, %min3A_199] : memref<8x128xf32, #tpu.memory_space<vmem>>[vector<16xi32>, vector<16xi32>], vector<16xf32>,
    %eq3A_208 = arith.constant 0.000000e+00 : f32
    %eq3A_209 = vector.broadcast %eq3A_208 : f32 to vector<16xf32>
    %eq3A_210 = arith.cmpf oeq, %gather3A_206, %eq3A_209 : vector<16xf32>
    %jit3A_211 = arith.constant 1.000000e+00 : f32
    %jit3A_212 = arith.constant 0.000000e+00 : f32
    %broadcast_in_dim3A_213 = vector.broadcast %jit3A_211 : f32 to vector<16xf32>
    %broadcast_in_dim3A_214 = vector.broadcast %jit3A_212 : f32 to vector<16xf32>
    %select_n3A_215 = arith.select %eq3A_210, %broadcast_in_dim3A_213, %broadcast_in_dim3A_214 : vector<16xi1>, vector<16xf32>
    %max3A_216 = arith.maximumf %gather3A_207, %select_n3A_215 : vector<16xf32>
    %min3A_217 = arith.constant 1.000000e+00 : f32
    %min3A_218 = vector.broadcast %min3A_217 : f32 to vector<16xf32>
    %min3A_219 = arith.minimumf %max3A_216, %min3A_218 : vector<16xf32>
    %mul3A_220 = arith.mulf %gather3A_204, %min3A_219 : vector<16xf32>
    %add3A_221 = arith.constant 0 : i32
    %add3A_222 = vector.broadcast %add3A_221 : i32 to vector<16xi32>
    %add3A_223 = arith.addi %add3A_222, %gather3A_205 : vector<16xi32>
    %mul3A_224 = arith.constant 100 : i32
    %mul3A_225 = vector.broadcast %mul3A_224 : i32 to vector<16xi32>
    %mul3A_226 = arith.muli %add3A_223, %mul3A_225 : vector<16xi32>
    %add3A_227 = arith.addi %mul3A_226, %min3A_199 : vector<16xi32>
    %ge3A_228 = vector.broadcast %mul3A_2 : i32 to vector<16xi32>
    %ge3A_229 = arith.cmpi sge, %add3A_227, %ge3A_228 : vector<16xi32>
    %add3A_230 = arith.constant 125000 : i32
    %add3A_231 = arith.addi %mul3A_2, %add3A_230 : i32
    %lt3A_232 = vector.broadcast %add3A_231 : i32 to vector<16xi32>
    %lt3A_233 = arith.cmpi slt, %add3A_227, %lt3A_232 : vector<16xi32>
    %and3A_234 = arith.andi %ge3A_229, %lt3A_233 : vector<16xi1>
    %sub3A_235 = vector.broadcast %mul3A_2 : i32 to vector<16xi32>
    %sub3A_236 = arith.subi %add3A_227, %sub3A_235 : vector<16xi32>
    %jit3A_237 = arith.constant 0 : i32
    %jit3A_238 = arith.constant 124999 : i32
    %max3A_239 = vector.broadcast %jit3A_237 : i32 to vector<16xi32>
    %max3A_240 = arith.maxsi %max3A_239, %sub3A_236 : vector<16xi32>
    %min3A_241 = vector.broadcast %jit3A_238 : i32 to vector<16xi32>
    %min3A_242 = arith.minsi %min3A_241, %max3A_240 : vector<16xi32>
    tpu.vector_store_idx %arg10[%min3A_242], %mul3A_220 masked %and3A_234 : memref<125000xf32, #tpu.memory_space<vmem>>[vector<16xi32>], vector<16xf32>, vector<16xi1>
    %iota3A_243 = tpu.iota {dimensions = array<i32: 0>} : vector<16xi32>
    %add3A_244 = arith.constant 80 : i32
    %add3A_245 = vector.broadcast %add3A_244 : i32 to vector<16xi32>
    %add3A_246 = arith.addi %iota3A_243, %add3A_245 : vector<16xi32>
    %min3A_247 = arith.constant 99 : i32
    %min3A_248 = vector.broadcast %min3A_247 : i32 to vector<16xi32>
    %min3A_249 = arith.minsi %add3A_246, %min3A_248 : vector<16xi32>
    %broadcast_in_dim3A_250 = arith.constant 0 : i32
    %broadcast_in_dim3A_251 = vector.broadcast %broadcast_in_dim3A_250 : i32 to vector<16xi32>
    %broadcast_in_dim3A_252 = arith.constant 1 : i32
    %broadcast_in_dim3A_253 = vector.broadcast %broadcast_in_dim3A_252 : i32 to vector<16xi32>
    %gather3A_254 = tpu.vector_load_idx %arg7[%broadcast_in_dim3A_253, %min3A_249] : memref<8x128xf32, #tpu.memory_space<vmem>>[vector<16xi32>, vector<16xi32>], vector<16xf32>,
    %gather3A_255 = tpu.vector_load_idx %arg8[%broadcast_in_dim3A_253, %min3A_249] : memref<8x128xi32, #tpu.memory_space<vmem>>[vector<16xi32>, vector<16xi32>], vector<16xi32>,
    %gather3A_256 = tpu.vector_load_idx %arg9[%broadcast_in_dim3A_251, %min3A_249] : memref<8x128xf32, #tpu.memory_space<vmem>>[vector<16xi32>, vector<16xi32>], vector<16xf32>,
    %gather3A_257 = tpu.vector_load_idx %arg9[%broadcast_in_dim3A_253, %min3A_249] : memref<8x128xf32, #tpu.memory_space<vmem>>[vector<16xi32>, vector<16xi32>], vector<16xf32>,
    %eq3A_258 = arith.constant 0.000000e+00 : f32
    %eq3A_259 = vector.broadcast %eq3A_258 : f32 to vector<16xf32>
    %eq3A_260 = arith.cmpf oeq, %gather3A_256, %eq3A_259 : vector<16xf32>
    %jit3A_261 = arith.constant 1.000000e+00 : f32
    %jit3A_262 = arith.constant 0.000000e+00 : f32
    %broadcast_in_dim3A_263 = vector.broadcast %jit3A_261 : f32 to vector<16xf32>
    %broadcast_in_dim3A_264 = vector.broadcast %jit3A_262 : f32 to vector<16xf32>
    %select_n3A_265 = arith.select %eq3A_260, %broadcast_in_dim3A_263, %broadcast_in_dim3A_264 : vector<16xi1>, vector<16xf32>
    %max3A_266 = arith.maximumf %gather3A_257, %select_n3A_265 : vector<16xf32>
    %min3A_267 = arith.constant 1.000000e+00 : f32
    %min3A_268 = vector.broadcast %min3A_267 : f32 to vector<16xf32>
    %min3A_269 = arith.minimumf %max3A_266, %min3A_268 : vector<16xf32>
    %mul3A_270 = arith.mulf %gather3A_254, %min3A_269 : vector<16xf32>
    %add3A_271 = arith.constant 0 : i32
    %add3A_272 = vector.broadcast %add3A_271 : i32 to vector<16xi32>
    %add3A_273 = arith.addi %add3A_272, %gather3A_255 : vector<16xi32>
    %mul3A_274 = arith.constant 100 : i32
    %mul3A_275 = vector.broadcast %mul3A_274 : i32 to vector<16xi32>
    %mul3A_276 = arith.muli %add3A_273, %mul3A_275 : vector<16xi32>
    %add3A_277 = arith.addi %mul3A_276, %min3A_249 : vector<16xi32>
    %ge3A_278 = vector.broadcast %mul3A_2 : i32 to vector<16xi32>
    %ge3A_279 = arith.cmpi sge, %add3A_277, %ge3A_278 : vector<16xi32>
    %add3A_280 = arith.constant 125000 : i32
    %add3A_281 = arith.addi %mul3A_2, %add3A_280 : i32
    %lt3A_282 = vector.broadcast %add3A_281 : i32 to vector<16xi32>
    %lt3A_283 = arith.cmpi slt, %add3A_277, %lt3A_282 : vector<16xi32>
    %and3A_284 = arith.andi %ge3A_279, %lt3A_283 : vector<16xi1>
    %sub3A_285 = vector.broadcast %mul3A_2 : i32 to vector<16xi32>
    %sub3A_286 = arith.subi %add3A_277, %sub3A_285 : vector<16xi32>
    %jit3A_287 = arith.constant 0 : i32
    %jit3A_288 = arith.constant 124999 : i32
    %max3A_289 = vector.broadcast %jit3A_287 : i32 to vector<16xi32>
    %max3A_290 = arith.maxsi %max3A_289, %sub3A_286 : vector<16xi32>
    %min3A_291 = vector.broadcast %jit3A_288 : i32 to vector<16xi32>
    %min3A_292 = arith.minsi %min3A_291, %max3A_290 : vector<16xi32>
    tpu.vector_store_idx %arg10[%min3A_292], %mul3A_270 masked %and3A_284 : memref<125000xf32, #tpu.memory_space<vmem>>[vector<16xi32>], vector<16xf32>, vector<16xi1>
    %iota3A_293 = tpu.iota {dimensions = array<i32: 0>} : vector<16xi32>
    %add3A_294 = arith.constant 96 : i32
    %add3A_295 = vector.broadcast %add3A_294 : i32 to vector<16xi32>
    %add3A_296 = arith.addi %iota3A_293, %add3A_295 : vector<16xi32>
    %min3A_297 = arith.constant 99 : i32
    %min3A_298 = vector.broadcast %min3A_297 : i32 to vector<16xi32>
    %min3A_299 = arith.minsi %add3A_296, %min3A_298 : vector<16xi32>
    %broadcast_in_dim3A_300 = arith.constant 0 : i32
    %broadcast_in_dim3A_301 = vector.broadcast %broadcast_in_dim3A_300 : i32 to vector<16xi32>
    %broadcast_in_dim3A_302 = arith.constant 1 : i32
    %broadcast_in_dim3A_303 = vector.broadcast %broadcast_in_dim3A_302 : i32 to vector<16xi32>
    %gather3A_304 = tpu.vector_load_idx %arg7[%broadcast_in_dim3A_303, %min3A_299] : memref<8x128xf32, #tpu.memory_space<vmem>>[vector<16xi32>, vector<16xi32>], vector<16xf32>,
    %gather3A_305 = tpu.vector_load_idx %arg8[%broadcast_in_dim3A_303, %min3A_299] : memref<8x128xi32, #tpu.memory_space<vmem>>[vector<16xi32>, vector<16xi32>], vector<16xi32>,
    %gather3A_306 = tpu.vector_load_idx %arg9[%broadcast_in_dim3A_301, %min3A_299] : memref<8x128xf32, #tpu.memory_space<vmem>>[vector<16xi32>, vector<16xi32>], vector<16xf32>,
    %gather3A_307 = tpu.vector_load_idx %arg9[%broadcast_in_dim3A_303, %min3A_299] : memref<8x128xf32, #tpu.memory_space<vmem>>[vector<16xi32>, vector<16xi32>], vector<16xf32>,
    %eq3A_308 = arith.constant 0.000000e+00 : f32
    %eq3A_309 = vector.broadcast %eq3A_308 : f32 to vector<16xf32>
    %eq3A_310 = arith.cmpf oeq, %gather3A_306, %eq3A_309 : vector<16xf32>
    %jit3A_311 = arith.constant 1.000000e+00 : f32
    %jit3A_312 = arith.constant 0.000000e+00 : f32
    %broadcast_in_dim3A_313 = vector.broadcast %jit3A_311 : f32 to vector<16xf32>
    %broadcast_in_dim3A_314 = vector.broadcast %jit3A_312 : f32 to vector<16xf32>
    %select_n3A_315 = arith.select %eq3A_310, %broadcast_in_dim3A_313, %broadcast_in_dim3A_314 : vector<16xi1>, vector<16xf32>
    %max3A_316 = arith.maximumf %gather3A_307, %select_n3A_315 : vector<16xf32>
    %min3A_317 = arith.constant 1.000000e+00 : f32
    %min3A_318 = vector.broadcast %min3A_317 : f32 to vector<16xf32>
    %min3A_319 = arith.minimumf %max3A_316, %min3A_318 : vector<16xf32>
    %mul3A_320 = arith.mulf %gather3A_304, %min3A_319 : vector<16xf32>
    %add3A_321 = arith.constant 0 : i32
    %add3A_322 = vector.broadcast %add3A_321 : i32 to vector<16xi32>
    %add3A_323 = arith.addi %add3A_322, %gather3A_305 : vector<16xi32>
    %mul3A_324 = arith.constant 100 : i32
    %mul3A_325 = vector.broadcast %mul3A_324 : i32 to vector<16xi32>
    %mul3A_326 = arith.muli %add3A_323, %mul3A_325 : vector<16xi32>
    %add3A_327 = arith.addi %mul3A_326, %min3A_299 : vector<16xi32>
    %ge3A_328 = vector.broadcast %mul3A_2 : i32 to vector<16xi32>
    %ge3A_329 = arith.cmpi sge, %add3A_327, %ge3A_328 : vector<16xi32>
    %add3A_330 = arith.constant 125000 : i32
    %add3A_331 = arith.addi %mul3A_2, %add3A_330 : i32
    %lt3A_332 = vector.broadcast %add3A_331 : i32 to vector<16xi32>
    %lt3A_333 = arith.cmpi slt, %add3A_327, %lt3A_332 : vector<16xi32>
    %and3A_334 = arith.andi %ge3A_329, %lt3A_333 : vector<16xi1>
    %sub3A_335 = vector.broadcast %mul3A_2 : i32 to vector<16xi32>
    %sub3A_336 = arith.subi %add3A_327, %sub3A_335 : vector<16xi32>
    %jit3A_337 = arith.constant 0 : i32
    %jit3A_338 = arith.constant 124999 : i32
    %max3A_339 = vector.broadcast %jit3A_337 : i32 to vector<16xi32>
    %max3A_340 = arith.maxsi %max3A_339, %sub3A_336 : vector<16xi32>
    %min3A_341 = vector.broadcast %jit3A_338 : i32 to vector<16xi32>
    %min3A_342 = arith.minsi %min3A_341, %max3A_340 : vector<16xi32>
    tpu.vector_store_idx %arg10[%min3A_342], %mul3A_320 masked %and3A_334 : memref<125000xf32, #tpu.memory_space<vmem>>[vector<16xi32>], vector<16xf32>, vector<16xi1>
    %run_scoped3A_343 = arith.constant 1 : i32
    "tpu.region"() ({
      %run_scoped3A_696 = tpu.sem_alloc : memref<!tpu.dma_semaphore, #tpu.memory_space<semaphore_mem>>
      %dma_start3A = arith.constant 0 : i32
      %dma_start3A_697 = arith.constant 0 : i32
      %dma_start3A_698 = tpu.memref_slice %arg3[%run_scoped3A_343, %dma_start3A, %dma_start3A_697] : memref<2x8x128xf32, #tpu.memory_space<hbm>> -> memref<1x8x128xf32, #tpu.memory_space<hbm>>
      %dma_start3A_699 = tpu.memref_squeeze %dma_start3A_698 : memref<1x8x128xf32, #tpu.memory_space<hbm>> -> memref<8x128xf32, #tpu.memory_space<hbm>>
      %dma_start3A_700 = arith.constant 0 : i32
      %dma_start3A_701 = arith.constant 0 : i32
      %dma_start3A_702 = tpu.memref_slice %arg3[%run_scoped3A_343, %dma_start3A_700, %dma_start3A_701] : memref<2x8x128xf32, #tpu.memory_space<hbm>> -> memref<1x8x128xf32, #tpu.memory_space<hbm>>
      %dma_start3A_703 = tpu.memref_squeeze %dma_start3A_702 : memref<1x8x128xf32, #tpu.memory_space<hbm>> -> memref<8x128xf32, #tpu.memory_space<hbm>>
      tpu.enqueue_dma source(%dma_start3A_703 : memref<8x128xf32, #tpu.memory_space<hbm>>) target(%arg7 : memref<8x128xf32, #tpu.memory_space<vmem>>) target_semaphore(%run_scoped3A_696 : memref<!tpu.dma_semaphore, #tpu.memory_space<semaphore_mem>>)
      %dma_wait3A = arith.constant 0 : i32
      %dma_wait3A_704 = arith.constant 0 : i32
      %dma_wait3A_705 = tpu.memref_slice %arg3[%run_scoped3A_343, %dma_wait3A, %dma_wait3A_704] : memref<2x8x128xf32, #tpu.memory_space<hbm>> -> memref<1x8x128xf32, #tpu.memory_space<hbm>>
      %dma_wait3A_706 = tpu.memref_squeeze %dma_wait3A_705 : memref<1x8x128xf32, #tpu.memory_space<hbm>> -> memref<8x128xf32, #tpu.memory_space<hbm>>
      %dma_wait3A_707 = arith.constant 0 : i32
      %dma_wait3A_708 = arith.constant 0 : i32
      %dma_wait3A_709 = tpu.memref_slice %arg3[%run_scoped3A_343, %dma_wait3A_707, %dma_wait3A_708] : memref<2x8x128xf32, #tpu.memory_space<hbm>> -> memref<1x8x128xf32, #tpu.memory_space<hbm>>
      %dma_wait3A_710 = tpu.memref_squeeze %dma_wait3A_709 : memref<1x8x128xf32, #tpu.memory_space<hbm>> -> memref<8x128xf32, #tpu.memory_space<hbm>>
      tpu.wait_dma2 semaphore(%run_scoped3A_696 : memref<!tpu.dma_semaphore, #tpu.memory_space<semaphore_mem>>) src(%dma_wait3A_710 : memref<8x128xf32, #tpu.memory_space<hbm>>) dst(%arg7 : memref<8x128xf32, #tpu.memory_space<vmem>>)
      tpu.yield
    }) : () -> ()
    %run_scoped3A_344 = arith.constant 1 : i32
    "tpu.region"() ({
      %run_scoped3A_696 = tpu.sem_alloc : memref<!tpu.dma_semaphore, #tpu.memory_space<semaphore_mem>>
      %dma_start3A = arith.constant 0 : i32
      %dma_start3A_697 = arith.constant 0 : i32
      %dma_start3A_698 = tpu.memref_slice %arg4[%run_scoped3A_344, %dma_start3A, %dma_start3A_697] : memref<2x8x128xi32, #tpu.memory_space<hbm>> -> memref<1x8x128xi32, #tpu.memory_space<hbm>>
      %dma_start3A_699 = tpu.memref_squeeze %dma_start3A_698 : memref<1x8x128xi32, #tpu.memory_space<hbm>> -> memref<8x128xi32, #tpu.memory_space<hbm>>
      %dma_start3A_700 = arith.constant 0 : i32
      %dma_start3A_701 = arith.constant 0 : i32
      %dma_start3A_702 = tpu.memref_slice %arg4[%run_scoped3A_344, %dma_start3A_700, %dma_start3A_701] : memref<2x8x128xi32, #tpu.memory_space<hbm>> -> memref<1x8x128xi32, #tpu.memory_space<hbm>>
      %dma_start3A_703 = tpu.memref_squeeze %dma_start3A_702 : memref<1x8x128xi32, #tpu.memory_space<hbm>> -> memref<8x128xi32, #tpu.memory_space<hbm>>
      tpu.enqueue_dma source(%dma_start3A_703 : memref<8x128xi32, #tpu.memory_space<hbm>>) target(%arg8 : memref<8x128xi32, #tpu.memory_space<vmem>>) target_semaphore(%run_scoped3A_696 : memref<!tpu.dma_semaphore, #tpu.memory_space<semaphore_mem>>)
      %dma_wait3A = arith.constant 0 : i32
      %dma_wait3A_704 = arith.constant 0 : i32
      %dma_wait3A_705 = tpu.memref_slice %arg4[%run_scoped3A_344, %dma_wait3A, %dma_wait3A_704] : memref<2x8x128xi32, #tpu.memory_space<hbm>> -> memref<1x8x128xi32, #tpu.memory_space<hbm>>
      %dma_wait3A_706 = tpu.memref_squeeze %dma_wait3A_705 : memref<1x8x128xi32, #tpu.memory_space<hbm>> -> memref<8x128xi32, #tpu.memory_space<hbm>>
      %dma_wait3A_707 = arith.constant 0 : i32
      %dma_wait3A_708 = arith.constant 0 : i32
      %dma_wait3A_709 = tpu.memref_slice %arg4[%run_scoped3A_344, %dma_wait3A_707, %dma_wait3A_708] : memref<2x8x128xi32, #tpu.memory_space<hbm>> -> memref<1x8x128xi32, #tpu.memory_space<hbm>>
      %dma_wait3A_710 = tpu.memref_squeeze %dma_wait3A_709 : memref<1x8x128xi32, #tpu.memory_space<hbm>> -> memref<8x128xi32, #tpu.memory_space<hbm>>
      tpu.wait_dma2 semaphore(%run_scoped3A_696 : memref<!tpu.dma_semaphore, #tpu.memory_space<semaphore_mem>>) src(%dma_wait3A_710 : memref<8x128xi32, #tpu.memory_space<hbm>>) dst(%arg8 : memref<8x128xi32, #tpu.memory_space<vmem>>)
      tpu.yield
    }) : () -> ()
    %run_scoped3A_345 = arith.constant 1 : i32
    "tpu.region"() ({
      %run_scoped3A_696 = tpu.sem_alloc : memref<!tpu.dma_semaphore, #tpu.memory_space<semaphore_mem>>
      %dma_start3A = arith.constant 0 : i32
      %dma_start3A_697 = arith.constant 0 : i32
      %dma_start3A_698 = tpu.memref_slice %arg5[%run_scoped3A_345, %dma_start3A, %dma_start3A_697] : memref<2x8x128xf32, #tpu.memory_space<hbm>> -> memref<1x8x128xf32, #tpu.memory_space<hbm>>
      %dma_start3A_699 = tpu.memref_squeeze %dma_start3A_698 : memref<1x8x128xf32, #tpu.memory_space<hbm>> -> memref<8x128xf32, #tpu.memory_space<hbm>>
      %dma_start3A_700 = arith.constant 0 : i32
      %dma_start3A_701 = arith.constant 0 : i32
      %dma_start3A_702 = tpu.memref_slice %arg5[%run_scoped3A_345, %dma_start3A_700, %dma_start3A_701] : memref<2x8x128xf32, #tpu.memory_space<hbm>> -> memref<1x8x128xf32, #tpu.memory_space<hbm>>
      %dma_start3A_703 = tpu.memref_squeeze %dma_start3A_702 : memref<1x8x128xf32, #tpu.memory_space<hbm>> -> memref<8x128xf32, #tpu.memory_space<hbm>>
      tpu.enqueue_dma source(%dma_start3A_703 : memref<8x128xf32, #tpu.memory_space<hbm>>) target(%arg9 : memref<8x128xf32, #tpu.memory_space<vmem>>) target_semaphore(%run_scoped3A_696 : memref<!tpu.dma_semaphore, #tpu.memory_space<semaphore_mem>>)
      %dma_wait3A = arith.constant 0 : i32
      %dma_wait3A_704 = arith.constant 0 : i32
      %dma_wait3A_705 = tpu.memref_slice %arg5[%run_scoped3A_345, %dma_wait3A, %dma_wait3A_704] : memref<2x8x128xf32, #tpu.memory_space<hbm>> -> memref<1x8x128xf32, #tpu.memory_space<hbm>>
      %dma_wait3A_706 = tpu.memref_squeeze %dma_wait3A_705 : memref<1x8x128xf32, #tpu.memory_space<hbm>> -> memref<8x128xf32, #tpu.memory_space<hbm>>
      %dma_wait3A_707 = arith.constant 0 : i32
      %dma_wait3A_708 = arith.constant 0 : i32
      %dma_wait3A_709 = tpu.memref_slice %arg5[%run_scoped3A_345, %dma_wait3A_707, %dma_wait3A_708] : memref<2x8x128xf32, #tpu.memory_space<hbm>> -> memref<1x8x128xf32, #tpu.memory_space<hbm>>
      %dma_wait3A_710 = tpu.memref_squeeze %dma_wait3A_709 : memref<1x8x128xf32, #tpu.memory_space<hbm>> -> memref<8x128xf32, #tpu.memory_space<hbm>>
      tpu.wait_dma2 semaphore(%run_scoped3A_696 : memref<!tpu.dma_semaphore, #tpu.memory_space<semaphore_mem>>) src(%dma_wait3A_710 : memref<8x128xf32, #tpu.memory_space<hbm>>) dst(%arg9 : memref<8x128xf32, #tpu.memory_space<vmem>>)
      tpu.yield
    }) : () -> ()
    %iota3A_346 = tpu.iota {dimensions = array<i32: 0>} : vector<16xi32>
    %add3A_347 = arith.constant 0 : i32
    %add3A_348 = vector.broadcast %add3A_347 : i32 to vector<16xi32>
    %add3A_349 = arith.addi %iota3A_346, %add3A_348 : vector<16xi32>
    %min3A_350 = arith.constant 99 : i32
    %min3A_351 = vector.broadcast %min3A_350 : i32 to vector<16xi32>
    %min3A_352 = arith.minsi %add3A_349, %min3A_351 : vector<16xi32>
    %broadcast_in_dim3A_353 = arith.constant 0 : i32
    %broadcast_in_dim3A_354 = vector.broadcast %broadcast_in_dim3A_353 : i32 to vector<16xi32>
    %broadcast_in_dim3A_355 = arith.constant 1 : i32
    %broadcast_in_dim3A_356 = vector.broadcast %broadcast_in_dim3A_355 : i32 to vector<16xi32>
    %gather3A_357 = tpu.vector_load_idx %arg7[%broadcast_in_dim3A_356, %min3A_352] : memref<8x128xf32, #tpu.memory_space<vmem>>[vector<16xi32>, vector<16xi32>], vector<16xf32>,
    %gather3A_358 = tpu.vector_load_idx %arg8[%broadcast_in_dim3A_356, %min3A_352] : memref<8x128xi32, #tpu.memory_space<vmem>>[vector<16xi32>, vector<16xi32>], vector<16xi32>,
    %gather3A_359 = tpu.vector_load_idx %arg9[%broadcast_in_dim3A_354, %min3A_352] : memref<8x128xf32, #tpu.memory_space<vmem>>[vector<16xi32>, vector<16xi32>], vector<16xf32>,
    %gather3A_360 = tpu.vector_load_idx %arg9[%broadcast_in_dim3A_356, %min3A_352] : memref<8x128xf32, #tpu.memory_space<vmem>>[vector<16xi32>, vector<16xi32>], vector<16xf32>,
    %eq3A_361 = arith.constant 0.000000e+00 : f32
    %eq3A_362 = vector.broadcast %eq3A_361 : f32 to vector<16xf32>
    %eq3A_363 = arith.cmpf oeq, %gather3A_359, %eq3A_362 : vector<16xf32>
    %jit3A_364 = arith.constant 1.000000e+00 : f32
    %jit3A_365 = arith.constant 0.000000e+00 : f32
    %broadcast_in_dim3A_366 = vector.broadcast %jit3A_364 : f32 to vector<16xf32>
    %broadcast_in_dim3A_367 = vector.broadcast %jit3A_365 : f32 to vector<16xf32>
    %select_n3A_368 = arith.select %eq3A_363, %broadcast_in_dim3A_366, %broadcast_in_dim3A_367 : vector<16xi1>, vector<16xf32>
    %max3A_369 = arith.maximumf %gather3A_360, %select_n3A_368 : vector<16xf32>
    %min3A_370 = arith.constant 1.000000e+00 : f32
    %min3A_371 = vector.broadcast %min3A_370 : f32 to vector<16xf32>
    %min3A_372 = arith.minimumf %max3A_369, %min3A_371 : vector<16xf32>
    %mul3A_373 = arith.mulf %gather3A_357, %min3A_372 : vector<16xf32>
    %add3A_374 = arith.constant 20000 : i32
    %add3A_375 = vector.broadcast %add3A_374 : i32 to vector<16xi32>
    %add3A_376 = arith.addi %add3A_375, %gather3A_358 : vector<16xi32>
    %mul3A_377 = arith.constant 100 : i32
    %mul3A_378 = vector.broadcast %mul3A_377 : i32 to vector<16xi32>
    %mul3A_379 = arith.muli %add3A_376, %mul3A_378 : vector<16xi32>
    %add3A_380 = arith.addi %mul3A_379, %min3A_352 : vector<16xi32>
    %ge3A_381 = vector.broadcast %mul3A_2 : i32 to vector<16xi32>
    %ge3A_382 = arith.cmpi sge, %add3A_380, %ge3A_381 : vector<16xi32>
    %add3A_383 = arith.constant 125000 : i32
    %add3A_384 = arith.addi %mul3A_2, %add3A_383 : i32
    %lt3A_385 = vector.broadcast %add3A_384 : i32 to vector<16xi32>
    %lt3A_386 = arith.cmpi slt, %add3A_380, %lt3A_385 : vector<16xi32>
    %and3A_387 = arith.andi %ge3A_382, %lt3A_386 : vector<16xi1>
    %sub3A_388 = vector.broadcast %mul3A_2 : i32 to vector<16xi32>
    %sub3A_389 = arith.subi %add3A_380, %sub3A_388 : vector<16xi32>
    %jit3A_390 = arith.constant 0 : i32
    %jit3A_391 = arith.constant 124999 : i32
    %max3A_392 = vector.broadcast %jit3A_390 : i32 to vector<16xi32>
    %max3A_393 = arith.maxsi %max3A_392, %sub3A_389 : vector<16xi32>
    %min3A_394 = vector.broadcast %jit3A_391 : i32 to vector<16xi32>
    %min3A_395 = arith.minsi %min3A_394, %max3A_393 : vector<16xi32>
    tpu.vector_store_idx %arg10[%min3A_395], %mul3A_373 masked %and3A_387 : memref<125000xf32, #tpu.memory_space<vmem>>[vector<16xi32>], vector<16xf32>, vector<16xi1>
    %iota3A_396 = tpu.iota {dimensions = array<i32: 0>} : vector<16xi32>
    %add3A_397 = arith.constant 16 : i32
    %add3A_398 = vector.broadcast %add3A_397 : i32 to vector<16xi32>
    %add3A_399 = arith.addi %iota3A_396, %add3A_398 : vector<16xi32>
    %min3A_400 = arith.constant 99 : i32
    %min3A_401 = vector.broadcast %min3A_400 : i32 to vector<16xi32>
    %min3A_402 = arith.minsi %add3A_399, %min3A_401 : vector<16xi32>
    %broadcast_in_dim3A_403 = arith.constant 0 : i32
    %broadcast_in_dim3A_404 = vector.broadcast %broadcast_in_dim3A_403 : i32 to vector<16xi32>
    %broadcast_in_dim3A_405 = arith.constant 1 : i32
    %broadcast_in_dim3A_406 = vector.broadcast %broadcast_in_dim3A_405 : i32 to vector<16xi32>
    %gather3A_407 = tpu.vector_load_idx %arg7[%broadcast_in_dim3A_406, %min3A_402] : memref<8x128xf32, #tpu.memory_space<vmem>>[vector<16xi32>, vector<16xi32>], vector<16xf32>,
    %gather3A_408 = tpu.vector_load_idx %arg8[%broadcast_in_dim3A_406, %min3A_402] : memref<8x128xi32, #tpu.memory_space<vmem>>[vector<16xi32>, vector<16xi32>], vector<16xi32>,
    %gather3A_409 = tpu.vector_load_idx %arg9[%broadcast_in_dim3A_404, %min3A_402] : memref<8x128xf32, #tpu.memory_space<vmem>>[vector<16xi32>, vector<16xi32>], vector<16xf32>,
    %gather3A_410 = tpu.vector_load_idx %arg9[%broadcast_in_dim3A_406, %min3A_402] : memref<8x128xf32, #tpu.memory_space<vmem>>[vector<16xi32>, vector<16xi32>], vector<16xf32>,
    %eq3A_411 = arith.constant 0.000000e+00 : f32
    %eq3A_412 = vector.broadcast %eq3A_411 : f32 to vector<16xf32>
    %eq3A_413 = arith.cmpf oeq, %gather3A_409, %eq3A_412 : vector<16xf32>
    %jit3A_414 = arith.constant 1.000000e+00 : f32
    %jit3A_415 = arith.constant 0.000000e+00 : f32
    %broadcast_in_dim3A_416 = vector.broadcast %jit3A_414 : f32 to vector<16xf32>
    %broadcast_in_dim3A_417 = vector.broadcast %jit3A_415 : f32 to vector<16xf32>
    %select_n3A_418 = arith.select %eq3A_413, %broadcast_in_dim3A_416, %broadcast_in_dim3A_417 : vector<16xi1>, vector<16xf32>
    %max3A_419 = arith.maximumf %gather3A_410, %select_n3A_418 : vector<16xf32>
    %min3A_420 = arith.constant 1.000000e+00 : f32
    %min3A_421 = vector.broadcast %min3A_420 : f32 to vector<16xf32>
    %min3A_422 = arith.minimumf %max3A_419, %min3A_421 : vector<16xf32>
    %mul3A_423 = arith.mulf %gather3A_407, %min3A_422 : vector<16xf32>
    %add3A_424 = arith.constant 20000 : i32
    %add3A_425 = vector.broadcast %add3A_424 : i32 to vector<16xi32>
    %add3A_426 = arith.addi %add3A_425, %gather3A_408 : vector<16xi32>
    %mul3A_427 = arith.constant 100 : i32
    %mul3A_428 = vector.broadcast %mul3A_427 : i32 to vector<16xi32>
    %mul3A_429 = arith.muli %add3A_426, %mul3A_428 : vector<16xi32>
    %add3A_430 = arith.addi %mul3A_429, %min3A_402 : vector<16xi32>
    %ge3A_431 = vector.broadcast %mul3A_2 : i32 to vector<16xi32>
    %ge3A_432 = arith.cmpi sge, %add3A_430, %ge3A_431 : vector<16xi32>
    %add3A_433 = arith.constant 125000 : i32
    %add3A_434 = arith.addi %mul3A_2, %add3A_433 : i32
    %lt3A_435 = vector.broadcast %add3A_434 : i32 to vector<16xi32>
    %lt3A_436 = arith.cmpi slt, %add3A_430, %lt3A_435 : vector<16xi32>
    %and3A_437 = arith.andi %ge3A_432, %lt3A_436 : vector<16xi1>
    %sub3A_438 = vector.broadcast %mul3A_2 : i32 to vector<16xi32>
    %sub3A_439 = arith.subi %add3A_430, %sub3A_438 : vector<16xi32>
    %jit3A_440 = arith.constant 0 : i32
    %jit3A_441 = arith.constant 124999 : i32
    %max3A_442 = vector.broadcast %jit3A_440 : i32 to vector<16xi32>
    %max3A_443 = arith.maxsi %max3A_442, %sub3A_439 : vector<16xi32>
    %min3A_444 = vector.broadcast %jit3A_441 : i32 to vector<16xi32>
    %min3A_445 = arith.minsi %min3A_444, %max3A_443 : vector<16xi32>
    tpu.vector_store_idx %arg10[%min3A_445], %mul3A_423 masked %and3A_437 : memref<125000xf32, #tpu.memory_space<vmem>>[vector<16xi32>], vector<16xf32>, vector<16xi1>
    %iota3A_446 = tpu.iota {dimensions = array<i32: 0>} : vector<16xi32>
    %add3A_447 = arith.constant 32 : i32
    %add3A_448 = vector.broadcast %add3A_447 : i32 to vector<16xi32>
    %add3A_449 = arith.addi %iota3A_446, %add3A_448 : vector<16xi32>
    %min3A_450 = arith.constant 99 : i32
    %min3A_451 = vector.broadcast %min3A_450 : i32 to vector<16xi32>
    %min3A_452 = arith.minsi %add3A_449, %min3A_451 : vector<16xi32>
    %broadcast_in_dim3A_453 = arith.constant 0 : i32
    %broadcast_in_dim3A_454 = vector.broadcast %broadcast_in_dim3A_453 : i32 to vector<16xi32>
    %broadcast_in_dim3A_455 = arith.constant 1 : i32
    %broadcast_in_dim3A_456 = vector.broadcast %broadcast_in_dim3A_455 : i32 to vector<16xi32>
    %gather3A_457 = tpu.vector_load_idx %arg7[%broadcast_in_dim3A_456, %min3A_452] : memref<8x128xf32, #tpu.memory_space<vmem>>[vector<16xi32>, vector<16xi32>], vector<16xf32>,
    %gather3A_458 = tpu.vector_load_idx %arg8[%broadcast_in_dim3A_456, %min3A_452] : memref<8x128xi32, #tpu.memory_space<vmem>>[vector<16xi32>, vector<16xi32>], vector<16xi32>,
    %gather3A_459 = tpu.vector_load_idx %arg9[%broadcast_in_dim3A_454, %min3A_452] : memref<8x128xf32, #tpu.memory_space<vmem>>[vector<16xi32>, vector<16xi32>], vector<16xf32>,
    %gather3A_460 = tpu.vector_load_idx %arg9[%broadcast_in_dim3A_456, %min3A_452] : memref<8x128xf32, #tpu.memory_space<vmem>>[vector<16xi32>, vector<16xi32>], vector<16xf32>,
    %eq3A_461 = arith.constant 0.000000e+00 : f32
    %eq3A_462 = vector.broadcast %eq3A_461 : f32 to vector<16xf32>
    %eq3A_463 = arith.cmpf oeq, %gather3A_459, %eq3A_462 : vector<16xf32>
    %jit3A_464 = arith.constant 1.000000e+00 : f32
    %jit3A_465 = arith.constant 0.000000e+00 : f32
    %broadcast_in_dim3A_466 = vector.broadcast %jit3A_464 : f32 to vector<16xf32>
    %broadcast_in_dim3A_467 = vector.broadcast %jit3A_465 : f32 to vector<16xf32>
    %select_n3A_468 = arith.select %eq3A_463, %broadcast_in_dim3A_466, %broadcast_in_dim3A_467 : vector<16xi1>, vector<16xf32>
    %max3A_469 = arith.maximumf %gather3A_460, %select_n3A_468 : vector<16xf32>
    %min3A_470 = arith.constant 1.000000e+00 : f32
    %min3A_471 = vector.broadcast %min3A_470 : f32 to vector<16xf32>
    %min3A_472 = arith.minimumf %max3A_469, %min3A_471 : vector<16xf32>
    %mul3A_473 = arith.mulf %gather3A_457, %min3A_472 : vector<16xf32>
    %add3A_474 = arith.constant 20000 : i32
    %add3A_475 = vector.broadcast %add3A_474 : i32 to vector<16xi32>
    %add3A_476 = arith.addi %add3A_475, %gather3A_458 : vector<16xi32>
    %mul3A_477 = arith.constant 100 : i32
    %mul3A_478 = vector.broadcast %mul3A_477 : i32 to vector<16xi32>
    %mul3A_479 = arith.muli %add3A_476, %mul3A_478 : vector<16xi32>
    %add3A_480 = arith.addi %mul3A_479, %min3A_452 : vector<16xi32>
    %ge3A_481 = vector.broadcast %mul3A_2 : i32 to vector<16xi32>
    %ge3A_482 = arith.cmpi sge, %add3A_480, %ge3A_481 : vector<16xi32>
    %add3A_483 = arith.constant 125000 : i32
    %add3A_484 = arith.addi %mul3A_2, %add3A_483 : i32
    %lt3A_485 = vector.broadcast %add3A_484 : i32 to vector<16xi32>
    %lt3A_486 = arith.cmpi slt, %add3A_480, %lt3A_485 : vector<16xi32>
    %and3A_487 = arith.andi %ge3A_482, %lt3A_486 : vector<16xi1>
    %sub3A_488 = vector.broadcast %mul3A_2 : i32 to vector<16xi32>
    %sub3A_489 = arith.subi %add3A_480, %sub3A_488 : vector<16xi32>
    %jit3A_490 = arith.constant 0 : i32
    %jit3A_491 = arith.constant 124999 : i32
    %max3A_492 = vector.broadcast %jit3A_490 : i32 to vector<16xi32>
    %max3A_493 = arith.maxsi %max3A_492, %sub3A_489 : vector<16xi32>
    %min3A_494 = vector.broadcast %jit3A_491 : i32 to vector<16xi32>
    %min3A_495 = arith.minsi %min3A_494, %max3A_493 : vector<16xi32>
    tpu.vector_store_idx %arg10[%min3A_495], %mul3A_473 masked %and3A_487 : memref<125000xf32, #tpu.memory_space<vmem>>[vector<16xi32>], vector<16xf32>, vector<16xi1>
    %iota3A_496 = tpu.iota {dimensions = array<i32: 0>} : vector<16xi32>
    %add3A_497 = arith.constant 48 : i32
    %add3A_498 = vector.broadcast %add3A_497 : i32 to vector<16xi32>
    %add3A_499 = arith.addi %iota3A_496, %add3A_498 : vector<16xi32>
    %min3A_500 = arith.constant 99 : i32
    %min3A_501 = vector.broadcast %min3A_500 : i32 to vector<16xi32>
    %min3A_502 = arith.minsi %add3A_499, %min3A_501 : vector<16xi32>
    %broadcast_in_dim3A_503 = arith.constant 0 : i32
    %broadcast_in_dim3A_504 = vector.broadcast %broadcast_in_dim3A_503 : i32 to vector<16xi32>
    %broadcast_in_dim3A_505 = arith.constant 1 : i32
    %broadcast_in_dim3A_506 = vector.broadcast %broadcast_in_dim3A_505 : i32 to vector<16xi32>
    %gather3A_507 = tpu.vector_load_idx %arg7[%broadcast_in_dim3A_506, %min3A_502] : memref<8x128xf32, #tpu.memory_space<vmem>>[vector<16xi32>, vector<16xi32>], vector<16xf32>,
    %gather3A_508 = tpu.vector_load_idx %arg8[%broadcast_in_dim3A_506, %min3A_502] : memref<8x128xi32, #tpu.memory_space<vmem>>[vector<16xi32>, vector<16xi32>], vector<16xi32>,
    %gather3A_509 = tpu.vector_load_idx %arg9[%broadcast_in_dim3A_504, %min3A_502] : memref<8x128xf32, #tpu.memory_space<vmem>>[vector<16xi32>, vector<16xi32>], vector<16xf32>,
    %gather3A_510 = tpu.vector_load_idx %arg9[%broadcast_in_dim3A_506, %min3A_502] : memref<8x128xf32, #tpu.memory_space<vmem>>[vector<16xi32>, vector<16xi32>], vector<16xf32>,
    %eq3A_511 = arith.constant 0.000000e+00 : f32
    %eq3A_512 = vector.broadcast %eq3A_511 : f32 to vector<16xf32>
    %eq3A_513 = arith.cmpf oeq, %gather3A_509, %eq3A_512 : vector<16xf32>
    %jit3A_514 = arith.constant 1.000000e+00 : f32
    %jit3A_515 = arith.constant 0.000000e+00 : f32
    %broadcast_in_dim3A_516 = vector.broadcast %jit3A_514 : f32 to vector<16xf32>
    %broadcast_in_dim3A_517 = vector.broadcast %jit3A_515 : f32 to vector<16xf32>
    %select_n3A_518 = arith.select %eq3A_513, %broadcast_in_dim3A_516, %broadcast_in_dim3A_517 : vector<16xi1>, vector<16xf32>
    %max3A_519 = arith.maximumf %gather3A_510, %select_n3A_518 : vector<16xf32>
    %min3A_520 = arith.constant 1.000000e+00 : f32
    %min3A_521 = vector.broadcast %min3A_520 : f32 to vector<16xf32>
    %min3A_522 = arith.minimumf %max3A_519, %min3A_521 : vector<16xf32>
    %mul3A_523 = arith.mulf %gather3A_507, %min3A_522 : vector<16xf32>
    %add3A_524 = arith.constant 20000 : i32
    %add3A_525 = vector.broadcast %add3A_524 : i32 to vector<16xi32>
    %add3A_526 = arith.addi %add3A_525, %gather3A_508 : vector<16xi32>
    %mul3A_527 = arith.constant 100 : i32
    %mul3A_528 = vector.broadcast %mul3A_527 : i32 to vector<16xi32>
    %mul3A_529 = arith.muli %add3A_526, %mul3A_528 : vector<16xi32>
    %add3A_530 = arith.addi %mul3A_529, %min3A_502 : vector<16xi32>
    %ge3A_531 = vector.broadcast %mul3A_2 : i32 to vector<16xi32>
    %ge3A_532 = arith.cmpi sge, %add3A_530, %ge3A_531 : vector<16xi32>
    %add3A_533 = arith.constant 125000 : i32
    %add3A_534 = arith.addi %mul3A_2, %add3A_533 : i32
    %lt3A_535 = vector.broadcast %add3A_534 : i32 to vector<16xi32>
    %lt3A_536 = arith.cmpi slt, %add3A_530, %lt3A_535 : vector<16xi32>
    %and3A_537 = arith.andi %ge3A_532, %lt3A_536 : vector<16xi1>
    %sub3A_538 = vector.broadcast %mul3A_2 : i32 to vector<16xi32>
    %sub3A_539 = arith.subi %add3A_530, %sub3A_538 : vector<16xi32>
    %jit3A_540 = arith.constant 0 : i32
    %jit3A_541 = arith.constant 124999 : i32
    %max3A_542 = vector.broadcast %jit3A_540 : i32 to vector<16xi32>
    %max3A_543 = arith.maxsi %max3A_542, %sub3A_539 : vector<16xi32>
    %min3A_544 = vector.broadcast %jit3A_541 : i32 to vector<16xi32>
    %min3A_545 = arith.minsi %min3A_544, %max3A_543 : vector<16xi32>
    tpu.vector_store_idx %arg10[%min3A_545], %mul3A_523 masked %and3A_537 : memref<125000xf32, #tpu.memory_space<vmem>>[vector<16xi32>], vector<16xf32>, vector<16xi1>
    %iota3A_546 = tpu.iota {dimensions = array<i32: 0>} : vector<16xi32>
    %add3A_547 = arith.constant 64 : i32
    %add3A_548 = vector.broadcast %add3A_547 : i32 to vector<16xi32>
    %add3A_549 = arith.addi %iota3A_546, %add3A_548 : vector<16xi32>
    %min3A_550 = arith.constant 99 : i32
    %min3A_551 = vector.broadcast %min3A_550 : i32 to vector<16xi32>
    %min3A_552 = arith.minsi %add3A_549, %min3A_551 : vector<16xi32>
    %broadcast_in_dim3A_553 = arith.constant 0 : i32
    %broadcast_in_dim3A_554 = vector.broadcast %broadcast_in_dim3A_553 : i32 to vector<16xi32>
    %broadcast_in_dim3A_555 = arith.constant 1 : i32
    %broadcast_in_dim3A_556 = vector.broadcast %broadcast_in_dim3A_555 : i32 to vector<16xi32>
    %gather3A_557 = tpu.vector_load_idx %arg7[%broadcast_in_dim3A_556, %min3A_552] : memref<8x128xf32, #tpu.memory_space<vmem>>[vector<16xi32>, vector<16xi32>], vector<16xf32>,
    %gather3A_558 = tpu.vector_load_idx %arg8[%broadcast_in_dim3A_556, %min3A_552] : memref<8x128xi32, #tpu.memory_space<vmem>>[vector<16xi32>, vector<16xi32>], vector<16xi32>,
    %gather3A_559 = tpu.vector_load_idx %arg9[%broadcast_in_dim3A_554, %min3A_552] : memref<8x128xf32, #tpu.memory_space<vmem>>[vector<16xi32>, vector<16xi32>], vector<16xf32>,
    %gather3A_560 = tpu.vector_load_idx %arg9[%broadcast_in_dim3A_556, %min3A_552] : memref<8x128xf32, #tpu.memory_space<vmem>>[vector<16xi32>, vector<16xi32>], vector<16xf32>,
    %eq3A_561 = arith.constant 0.000000e+00 : f32
    %eq3A_562 = vector.broadcast %eq3A_561 : f32 to vector<16xf32>
    %eq3A_563 = arith.cmpf oeq, %gather3A_559, %eq3A_562 : vector<16xf32>
    %jit3A_564 = arith.constant 1.000000e+00 : f32
    %jit3A_565 = arith.constant 0.000000e+00 : f32
    %broadcast_in_dim3A_566 = vector.broadcast %jit3A_564 : f32 to vector<16xf32>
    %broadcast_in_dim3A_567 = vector.broadcast %jit3A_565 : f32 to vector<16xf32>
    %select_n3A_568 = arith.select %eq3A_563, %broadcast_in_dim3A_566, %broadcast_in_dim3A_567 : vector<16xi1>, vector<16xf32>
    %max3A_569 = arith.maximumf %gather3A_560, %select_n3A_568 : vector<16xf32>
    %min3A_570 = arith.constant 1.000000e+00 : f32
    %min3A_571 = vector.broadcast %min3A_570 : f32 to vector<16xf32>
    %min3A_572 = arith.minimumf %max3A_569, %min3A_571 : vector<16xf32>
    %mul3A_573 = arith.mulf %gather3A_557, %min3A_572 : vector<16xf32>
    %add3A_574 = arith.constant 20000 : i32
    %add3A_575 = vector.broadcast %add3A_574 : i32 to vector<16xi32>
    %add3A_576 = arith.addi %add3A_575, %gather3A_558 : vector<16xi32>
    %mul3A_577 = arith.constant 100 : i32
    %mul3A_578 = vector.broadcast %mul3A_577 : i32 to vector<16xi32>
    %mul3A_579 = arith.muli %add3A_576, %mul3A_578 : vector<16xi32>
    %add3A_580 = arith.addi %mul3A_579, %min3A_552 : vector<16xi32>
    %ge3A_581 = vector.broadcast %mul3A_2 : i32 to vector<16xi32>
    %ge3A_582 = arith.cmpi sge, %add3A_580, %ge3A_581 : vector<16xi32>
    %add3A_583 = arith.constant 125000 : i32
    %add3A_584 = arith.addi %mul3A_2, %add3A_583 : i32
    %lt3A_585 = vector.broadcast %add3A_584 : i32 to vector<16xi32>
    %lt3A_586 = arith.cmpi slt, %add3A_580, %lt3A_585 : vector<16xi32>
    %and3A_587 = arith.andi %ge3A_582, %lt3A_586 : vector<16xi1>
    %sub3A_588 = vector.broadcast %mul3A_2 : i32 to vector<16xi32>
    %sub3A_589 = arith.subi %add3A_580, %sub3A_588 : vector<16xi32>
    %jit3A_590 = arith.constant 0 : i32
    %jit3A_591 = arith.constant 124999 : i32
    %max3A_592 = vector.broadcast %jit3A_590 : i32 to vector<16xi32>
    %max3A_593 = arith.maxsi %max3A_592, %sub3A_589 : vector<16xi32>
    %min3A_594 = vector.broadcast %jit3A_591 : i32 to vector<16xi32>
    %min3A_595 = arith.minsi %min3A_594, %max3A_593 : vector<16xi32>
    tpu.vector_store_idx %arg10[%min3A_595], %mul3A_573 masked %and3A_587 : memref<125000xf32, #tpu.memory_space<vmem>>[vector<16xi32>], vector<16xf32>, vector<16xi1>
    %iota3A_596 = tpu.iota {dimensions = array<i32: 0>} : vector<16xi32>
    %add3A_597 = arith.constant 80 : i32
    %add3A_598 = vector.broadcast %add3A_597 : i32 to vector<16xi32>
    %add3A_599 = arith.addi %iota3A_596, %add3A_598 : vector<16xi32>
    %min3A_600 = arith.constant 99 : i32
    %min3A_601 = vector.broadcast %min3A_600 : i32 to vector<16xi32>
    %min3A_602 = arith.minsi %add3A_599, %min3A_601 : vector<16xi32>
    %broadcast_in_dim3A_603 = arith.constant 0 : i32
    %broadcast_in_dim3A_604 = vector.broadcast %broadcast_in_dim3A_603 : i32 to vector<16xi32>
    %broadcast_in_dim3A_605 = arith.constant 1 : i32
    %broadcast_in_dim3A_606 = vector.broadcast %broadcast_in_dim3A_605 : i32 to vector<16xi32>
    %gather3A_607 = tpu.vector_load_idx %arg7[%broadcast_in_dim3A_606, %min3A_602] : memref<8x128xf32, #tpu.memory_space<vmem>>[vector<16xi32>, vector<16xi32>], vector<16xf32>,
    %gather3A_608 = tpu.vector_load_idx %arg8[%broadcast_in_dim3A_606, %min3A_602] : memref<8x128xi32, #tpu.memory_space<vmem>>[vector<16xi32>, vector<16xi32>], vector<16xi32>,
    %gather3A_609 = tpu.vector_load_idx %arg9[%broadcast_in_dim3A_604, %min3A_602] : memref<8x128xf32, #tpu.memory_space<vmem>>[vector<16xi32>, vector<16xi32>], vector<16xf32>,
    %gather3A_610 = tpu.vector_load_idx %arg9[%broadcast_in_dim3A_606, %min3A_602] : memref<8x128xf32, #tpu.memory_space<vmem>>[vector<16xi32>, vector<16xi32>], vector<16xf32>,
    %eq3A_611 = arith.constant 0.000000e+00 : f32
    %eq3A_612 = vector.broadcast %eq3A_611 : f32 to vector<16xf32>
    %eq3A_613 = arith.cmpf oeq, %gather3A_609, %eq3A_612 : vector<16xf32>
    %jit3A_614 = arith.constant 1.000000e+00 : f32
    %jit3A_615 = arith.constant 0.000000e+00 : f32
    %broadcast_in_dim3A_616 = vector.broadcast %jit3A_614 : f32 to vector<16xf32>
    %broadcast_in_dim3A_617 = vector.broadcast %jit3A_615 : f32 to vector<16xf32>
    %select_n3A_618 = arith.select %eq3A_613, %broadcast_in_dim3A_616, %broadcast_in_dim3A_617 : vector<16xi1>, vector<16xf32>
    %max3A_619 = arith.maximumf %gather3A_610, %select_n3A_618 : vector<16xf32>
    %min3A_620 = arith.constant 1.000000e+00 : f32
    %min3A_621 = vector.broadcast %min3A_620 : f32 to vector<16xf32>
    %min3A_622 = arith.minimumf %max3A_619, %min3A_621 : vector<16xf32>
    %mul3A_623 = arith.mulf %gather3A_607, %min3A_622 : vector<16xf32>
    %add3A_624 = arith.constant 20000 : i32
    %add3A_625 = vector.broadcast %add3A_624 : i32 to vector<16xi32>
    %add3A_626 = arith.addi %add3A_625, %gather3A_608 : vector<16xi32>
    %mul3A_627 = arith.constant 100 : i32
    %mul3A_628 = vector.broadcast %mul3A_627 : i32 to vector<16xi32>
    %mul3A_629 = arith.muli %add3A_626, %mul3A_628 : vector<16xi32>
    %add3A_630 = arith.addi %mul3A_629, %min3A_602 : vector<16xi32>
    %ge3A_631 = vector.broadcast %mul3A_2 : i32 to vector<16xi32>
    %ge3A_632 = arith.cmpi sge, %add3A_630, %ge3A_631 : vector<16xi32>
    %add3A_633 = arith.constant 125000 : i32
    %add3A_634 = arith.addi %mul3A_2, %add3A_633 : i32
    %lt3A_635 = vector.broadcast %add3A_634 : i32 to vector<16xi32>
    %lt3A_636 = arith.cmpi slt, %add3A_630, %lt3A_635 : vector<16xi32>
    %and3A_637 = arith.andi %ge3A_632, %lt3A_636 : vector<16xi1>
    %sub3A_638 = vector.broadcast %mul3A_2 : i32 to vector<16xi32>
    %sub3A_639 = arith.subi %add3A_630, %sub3A_638 : vector<16xi32>
    %jit3A_640 = arith.constant 0 : i32
    %jit3A_641 = arith.constant 124999 : i32
    %max3A_642 = vector.broadcast %jit3A_640 : i32 to vector<16xi32>
    %max3A_643 = arith.maxsi %max3A_642, %sub3A_639 : vector<16xi32>
    %min3A_644 = vector.broadcast %jit3A_641 : i32 to vector<16xi32>
    %min3A_645 = arith.minsi %min3A_644, %max3A_643 : vector<16xi32>
    tpu.vector_store_idx %arg10[%min3A_645], %mul3A_623 masked %and3A_637 : memref<125000xf32, #tpu.memory_space<vmem>>[vector<16xi32>], vector<16xf32>, vector<16xi1>
    %iota3A_646 = tpu.iota {dimensions = array<i32: 0>} : vector<16xi32>
    %add3A_647 = arith.constant 96 : i32
    %add3A_648 = vector.broadcast %add3A_647 : i32 to vector<16xi32>
    %add3A_649 = arith.addi %iota3A_646, %add3A_648 : vector<16xi32>
    %min3A_650 = arith.constant 99 : i32
    %min3A_651 = vector.broadcast %min3A_650 : i32 to vector<16xi32>
    %min3A_652 = arith.minsi %add3A_649, %min3A_651 : vector<16xi32>
    %broadcast_in_dim3A_653 = arith.constant 0 : i32
    %broadcast_in_dim3A_654 = vector.broadcast %broadcast_in_dim3A_653 : i32 to vector<16xi32>
    %broadcast_in_dim3A_655 = arith.constant 1 : i32
    %broadcast_in_dim3A_656 = vector.broadcast %broadcast_in_dim3A_655 : i32 to vector<16xi32>
    %gather3A_657 = tpu.vector_load_idx %arg7[%broadcast_in_dim3A_656, %min3A_652] : memref<8x128xf32, #tpu.memory_space<vmem>>[vector<16xi32>, vector<16xi32>], vector<16xf32>,
    %gather3A_658 = tpu.vector_load_idx %arg8[%broadcast_in_dim3A_656, %min3A_652] : memref<8x128xi32, #tpu.memory_space<vmem>>[vector<16xi32>, vector<16xi32>], vector<16xi32>,
    %gather3A_659 = tpu.vector_load_idx %arg9[%broadcast_in_dim3A_654, %min3A_652] : memref<8x128xf32, #tpu.memory_space<vmem>>[vector<16xi32>, vector<16xi32>], vector<16xf32>,
    %gather3A_660 = tpu.vector_load_idx %arg9[%broadcast_in_dim3A_656, %min3A_652] : memref<8x128xf32, #tpu.memory_space<vmem>>[vector<16xi32>, vector<16xi32>], vector<16xf32>,
    %eq3A_661 = arith.constant 0.000000e+00 : f32
    %eq3A_662 = vector.broadcast %eq3A_661 : f32 to vector<16xf32>
    %eq3A_663 = arith.cmpf oeq, %gather3A_659, %eq3A_662 : vector<16xf32>
    %jit3A_664 = arith.constant 1.000000e+00 : f32
    %jit3A_665 = arith.constant 0.000000e+00 : f32
    %broadcast_in_dim3A_666 = vector.broadcast %jit3A_664 : f32 to vector<16xf32>
    %broadcast_in_dim3A_667 = vector.broadcast %jit3A_665 : f32 to vector<16xf32>
    %select_n3A_668 = arith.select %eq3A_663, %broadcast_in_dim3A_666, %broadcast_in_dim3A_667 : vector<16xi1>, vector<16xf32>
    %max3A_669 = arith.maximumf %gather3A_660, %select_n3A_668 : vector<16xf32>
    %min3A_670 = arith.constant 1.000000e+00 : f32
    %min3A_671 = vector.broadcast %min3A_670 : f32 to vector<16xf32>
    %min3A_672 = arith.minimumf %max3A_669, %min3A_671 : vector<16xf32>
    %mul3A_673 = arith.mulf %gather3A_657, %min3A_672 : vector<16xf32>
    %add3A_674 = arith.constant 20000 : i32
    %add3A_675 = vector.broadcast %add3A_674 : i32 to vector<16xi32>
    %add3A_676 = arith.addi %add3A_675, %gather3A_658 : vector<16xi32>
    %mul3A_677 = arith.constant 100 : i32
    %mul3A_678 = vector.broadcast %mul3A_677 : i32 to vector<16xi32>
    %mul3A_679 = arith.muli %add3A_676, %mul3A_678 : vector<16xi32>
    %add3A_680 = arith.addi %mul3A_679, %min3A_652 : vector<16xi32>
    %ge3A_681 = vector.broadcast %mul3A_2 : i32 to vector<16xi32>
    %ge3A_682 = arith.cmpi sge, %add3A_680, %ge3A_681 : vector<16xi32>
    %add3A_683 = arith.constant 125000 : i32
    %add3A_684 = arith.addi %mul3A_2, %add3A_683 : i32
    %lt3A_685 = vector.broadcast %add3A_684 : i32 to vector<16xi32>
    %lt3A_686 = arith.cmpi slt, %add3A_680, %lt3A_685 : vector<16xi32>
    %and3A_687 = arith.andi %ge3A_682, %lt3A_686 : vector<16xi1>
    %sub3A_688 = vector.broadcast %mul3A_2 : i32 to vector<16xi32>
    %sub3A_689 = arith.subi %add3A_680, %sub3A_688 : vector<16xi32>
    %jit3A_690 = arith.constant 0 : i32
    %jit3A_691 = arith.constant 124999 : i32
    %max3A_692 = vector.broadcast %jit3A_690 : i32 to vector<16xi32>
    %max3A_693 = arith.maxsi %max3A_692, %sub3A_689 : vector<16xi32>
    %min3A_694 = vector.broadcast %jit3A_691 : i32 to vector<16xi32>
    %min3A_695 = arith.minsi %min3A_694, %max3A_693 : vector<16xi32>
    tpu.vector_store_idx %arg10[%min3A_695], %mul3A_673 masked %and3A_687 : memref<125000xf32, #tpu.memory_space<vmem>>[vector<16xi32>], vector<16xf32>, vector<16xi1>
    "tpu.region"() ({
      %run_scoped3A_696 = tpu.sem_alloc : memref<!tpu.dma_semaphore, #tpu.memory_space<semaphore_mem>>
      %dma_start3A = tpu.memref_slice %arg6[%mul3A_2] : memref<4000000xf32, #tpu.memory_space<hbm>> -> memref<125000xf32, #tpu.memory_space<hbm>>
      %dma_start3A_697 = tpu.memref_slice %arg6[%mul3A_2] : memref<4000000xf32, #tpu.memory_space<hbm>> -> memref<125000xf32, #tpu.memory_space<hbm>>
      tpu.enqueue_dma source(%arg10 : memref<125000xf32, #tpu.memory_space<vmem>>) target(%dma_start3A_697 : memref<125000xf32, #tpu.memory_space<hbm>>) target_semaphore(%run_scoped3A_696 : memref<!tpu.dma_semaphore, #tpu.memory_space<semaphore_mem>>)
      %dma_wait3A = tpu.memref_slice %arg6[%mul3A_2] : memref<4000000xf32, #tpu.memory_space<hbm>> -> memref<125000xf32, #tpu.memory_space<hbm>>
      %dma_wait3A_698 = tpu.memref_slice %arg6[%mul3A_2] : memref<4000000xf32, #tpu.memory_space<hbm>> -> memref<125000xf32, #tpu.memory_space<hbm>>
      tpu.wait_dma2 semaphore(%run_scoped3A_696 : memref<!tpu.dma_semaphore, #tpu.memory_space<semaphore_mem>>) src(%arg10 : memref<125000xf32, #tpu.memory_space<vmem>>) dst(%dma_wait3A_698 : memref<125000xf32, #tpu.memory_space<hbm>>)
      tpu.yield
    }) : () -> ()
    return
  }
}

</mosaic_0001>

<sc_bundles>
// kernel: _run_sc_fix.3.cloned.1.call-start
scs
__scs_entry_jumppad:
0x0: {  	(pc) =	sbr.rel $0x88, $3  }
0x1: {  	(tag) =	ssettag $0x0;
	lr =	simm.s32 $0x1  }
0x2: {  	[smem:$0x3F9D] =	sst lr;
	_ =	strace $0xD0000000  }
0x3: {  	_ = 	snop  }
0x4: {  	_ = 	snop  }
0x5: {  	_ = 	snop  }
0x6: {  	_ = 	snop  }
0x7: {  	_ = 	snop  }
__scs_overlays_trampoline_lowered:
0x8: {  	[smem:$0x3FAC] =	sst s0  }
0x9: {  	[smem:$0x3FAD] =	sst s1  }
0xa: {  	[smem:$0x3FAE] =	sst s2  }
0xb: {  	[smem:$0x3FAF] =	sst s3  }
0xc: {  	[smem:$0x3FB0] =	sst s4  }
0xd: {  	[smem:$0x3FB1] =	sst s5  }
0xe: {  	[smem:$0x3FB2] =	sst s6  }
0xf: {  	[smem:$0x3FB3] =	sst s7  }
0x10: {  	[smem:$0x3FB4] =	sst s8  }
0x11: {  	[smem:$0x3FB5] =	sst s9;
	s0 =	simm.s32 @!p0 $0x0  }
0x12: {  	s1 =	sld [smem:$0x3F9B];
	s0 =	simm.s32 @p0 $0x1  }
0x13: {  	[smem:$0x3FB6] =	sst s0;
	s0 =	simm.s32 @!p1 $0x0  }
0x14: {  	s2 =	sld [smem:$0x3F9A];
	s0 =	simm.s32 @p1 $0x1  }
0x15: {  	[smem:$0x3FB7] =	sst s0;
	s0 =	simm.s32 @!p2 $0x0  }
0x16: {  	s3 =	sld [smem:$0x3FDB];
	s0 =	simm.s32 @p2 $0x1  }
0x17: {  	s4 =	simm.s32 $0x1BF5;
	[smem:$0x3FB9] =	sst s0  }
0x18: {  	s0 =	sld [smem:$0x3F9C];
	_ =	swait.ge [sflag:s4], $0x0  }
0x19: {  	s7 =	sld [smem:$0x3F9D]  }
0x1a: {  	s8 =	sadd.s32 $0xFFFFE003, lr  }
0x1b: {  	s9 =	sadd.s32 $0xFFFFFEF7, lr;
	s5 =	simm.s32 $0xFFFFFFFF;
	p2 =	slt.u32 s8, $0xFFFFF086  }
0x1c: {  	p1 =	slt.u32 s9, $0xF7A;
	s5 =	simm.s32 @!p2 $0x0  }
0x1d: {  	s5 =	simm.s32 @p1 $0x1;
	p0 =	seq.s32 s7, s2  }
0x1e: {  	s7 =	smul.u32 @!p0 $0xF7A, s2;
	p2 =	seq.s32 @!p0 s5, $0x0  }
0x1f: {  	s9 =	smul.u32 $0xF7A, s1;
	s8 =	simm.s32 @!p0 $0x1BF5;
	p2 =	por !p2, p0  }
0x20: {  	[sflag:s8] =	ssyncset.s32 @!p0 $0xFFFFF086;
	s6 =	sadd.s32 @!p0 s3, s7;
	s7 =	simm.s32 @!p0 $0x108  }
0x21: {  	s3 =	sadd.s32 s3, s9;
	s6 =	sadd.s32 @!p0 $0x88, s6;
	s7 =	simm.s32 @p2 $0x1082  }
0x22: {  	[simem:s7], [sflag:s8] =	dma.local @!p0 [hbm:s6], $0xF7A  }
0x23: {  	s9 =	sor.u32 $0xD0000000, s2;
	s6 =	simm.s32 $0x108;
	_ =	swait.ge @!p0 [sflag:s8], $0x0  }
0x24: {  	s3 =	sadd.s32 $0x88, s3;
	s6 =	simm.s32 @!p1 $0x1082;
	[sflag:s4] =	ssyncset.s32 $0xFFFFF086  }
0x25: {  	[simem:s6], [sflag:s4] =	dma.local [hbm:s3], $0xF7A  }
0x26: {  	[smem:$0x3F9D] =	sst s1;
	(tag) =	ssettag s2;
	_ =	strace s9  }
0x27: {  	s1 =	sld [smem:$0x3FAD]  }
0x28: {  	s2 =	sld [smem:$0x3FAE]  }
0x29: {  	s4 =	sld [smem:$0x3FB0]  }
0x2a: {  	p0 =	seq.s32 s5, $0x0;
	s5 =	sld [smem:$0x3FB1]  }
0x2b: {  	s6 =	sld [smem:$0x3FB2]  }
0x2c: {  	s7 =	sld [smem:$0x3FB3]  }
0x2d: {  	s3 =	simm.s32 $0x108;
	s8 =	sld [smem:$0x3FB4]  }
0x2e: {  	s3 =	simm.s32 @!p0 $0x1082;
	s9 =	sld [smem:$0x3FB5]  }
0x2f: {  	lr =	sadd.s32 s0, s3;
	s0 =	sld [smem:$0x3FAC]  }
0x30: {  	s3 =	sld [smem:$0x3FAF]  }
0x31: {  	[smem:$0x3FB8] =	sst s10  }
0x32: {  	s10 =	sld [smem:$0x3FB6];
	_ =	sdelay $0x3  }
0x33: {  	p0 =	seq.s32 s10, $0x1;
	s10 =	sld [smem:$0x3FB8];
	_ =	sdelay $0x3  }
0x34: {  	[smem:$0x3FB8] =	sst s10  }
0x35: {  	s10 =	sld [smem:$0x3FB7];
	_ =	sdelay $0x3  }
0x36: {  	p1 =	seq.s32 s10, $0x1;
	s10 =	sld [smem:$0x3FB8];
	_ =	sdelay $0x3  }
0x37: {  	[smem:$0x3FB8] =	sst s10  }
0x38: {  	s10 =	sld [smem:$0x3FB9]  }
0x39: {  	_ = 	snop;
	(pc) =	sbr.ind lr, $3  }
0x3a: {  	_ = 	snop  }
0x3b: {  	_ = 	snop  }
0x3c: {  	p2 =	seq.s32 s10, $0x1;
	s10 =	sld [smem:$0x3FB8]  }
0x3d: {  	_ =	shalt  }
0x3e: {  	_ =	shalt  }
0x3f: {  	_ =	shalt  }
0x40: {  	_ =	shalt  }
0x41: {  	_ =	shalt  }
0x42: {  	_ =	shalt  }
0x43: {  	_ =	shalt  }
0x44: {  	_ =	shalt  }
0x45: {  	_ =	shalt  }
0x46: {  	_ =	shalt  }
0x47: {  	_ =	shalt  }
0x48: {  	_ =	shalt  }
0x49: {  	_ =	shalt  }
0x4a: {  	_ =	shalt  }
0x4b: {  	_ =	shalt  }
0x4c: {  	_ =	shalt  }
0x4d: {  	_ =	shalt  }
0x4e: {  	_ =	shalt  }
0x4f: {  	_ =	shalt  }
0x50: {  	_ =	shalt  }
0x51: {  	_ =	shalt  }
0x52: {  	_ =	shalt  }
0x53: {  	_ =	shalt  }
0x54: {  	_ =	shalt  }
0x55: {  	_ =	shalt  }
0x56: {  	_ =	shalt  }
0x57: {  	_ =	shalt  }
0x58: {  	_ =	shalt  }
0x59: {  	_ =	shalt  }
0x5a: {  	_ =	shalt  }
0x5b: {  	_ =	shalt  }
0x5c: {  	_ =	shalt  }
0x5d: {  	_ =	shalt  }
0x5e: {  	_ =	shalt  }
0x5f: {  	_ =	shalt  }
0x60: {  	_ =	shalt  }
0x61: {  	_ =	shalt  }
0x62: {  	_ =	shalt  }
0x63: {  	_ =	shalt  }
0x64: {  	_ =	shalt  }
0x65: {  	_ =	shalt  }
0x66: {  	_ =	shalt  }
0x67: {  	_ =	shalt  }
0x68: {  	_ =	shalt  }
0x69: {  	_ =	shalt  }
0x6a: {  	_ =	shalt  }
0x6b: {  	_ =	shalt  }
0x6c: {  	_ =	shalt  }
0x6d: {  	_ =	shalt  }
0x6e: {  	_ =	shalt  }
0x6f: {  	_ =	shalt  }
0x70: {  	_ =	shalt  }
0x71: {  	_ =	shalt  }
0x72: {  	_ =	shalt  }
0x73: {  	_ =	shalt  }
0x74: {  	_ =	shalt  }
0x75: {  	_ =	shalt  }
0x76: {  	_ =	shalt  }
0x77: {  	_ =	shalt  }
0x78: {  	_ =	shalt  }
0x79: {  	_ =	shalt  }
0x7a: {  	_ =	shalt  }
0x7b: {  	_ =	shalt  }
0x7c: {  	_ =	shalt  }
0x7d: {  	_ =	shalt  }
0x7e: {  	_ =	shalt  }
0x7f: {  	_ =	shalt  }
0x80: {  	_ =	shalt  }
0x81: {  	_ =	shalt  }
0x82: {  	_ =	shalt  }
0x83: {  	_ =	shalt  }
0x84: {  	_ =	shalt  }
0x85: {  	_ =	shalt  }
0x86: {  	_ =	shalt  }
0x87: {  	_ =	shalt  }
.Lfunc_end0:
.L_simem_size_0:
called_computation_lowered:
.L_overlay_start_0:
0x88: {  	s2 =	sld [smem:$0x3FD9]  }
0x89: {  	s3 =	sld [smem:$0x3FFE];
	_ =	sdelay $0x1  }
0x8a: {  	s1 =	srdreg.scid  }
0x8b: {  	s0 =	sand.u32 $0x1, s1  }
0x8c: {  	s17 =	sshll.u32 s0, $0xA;
	s2 =	sadd.s32 s3, s2  }
0x8d: {  	s2 =	sadd.s32 s2, s17  }
0x8e: {  	[smem:$0x3FC4] =	sst s2  }
0x8f: {  	_ = 	snop  }
0x90: {  	s2 =	sld [smem:$0x3FD0]  }
0x91: {  	s18 =	sld [smem:$0x3FC8]  }
0x92: {  	s4 =	sld [smem:$0x3FC7]  }
0x93: {  	s5 =	sld [smem:$0x3FC6];
	(tm) =	ssettm $0x1  }
0x94: {  	s6 =	sld [smem:$0x3FFB];
	_ =	sdelay $0x3  }
0x95: {  	_ =	strace s6  }
0x96: {  	s6 =	sld [smem:$0x3FFC];
	_ =	sdelay $0x3  }
0x97: {  	_ =	strace s6  }
0x98: {  	s6 =	sld [smem:$0x3FFD];
	_ =	sdelay $0x3  }
0x99: {  	_ =	strace s6  }
0x9a: {  	_ =	strace $0x8FFFFFFF  }
0x9b: {  	s19 =	sld [smem:$0x3FDB];
	_ =	sdelay $0x1  }
0x9c: {  	s7 =	simm.s32 $_scs_section_size  }
0x9d: {  	s8 =	simm.s32 $_size__tile_overlayer_lowered;
	s9 =	simm.s32 $_tile_overlayer_lowered  }
0x9e: {  	s22 =	simm.s32 $0x1BFF;
	s21 =	sshll.u32 s9, $0x1;
	s6 =	sadd.s32 s7, s19  }
0x9f: {  	s10 =	simm.s32 $0x0;
	s20 =	sshll.u32 s8, $0x1;
	s8 =	sadd.s32 s21, s6  }
0xa0: {  	[timem:s10], [sflag:s22] =	dma.local [hbm:s8], s20  }
0xa1: {  	_ =	swait.ge [sflag:s22], s20  }
0xa2: {  	s7 =	ssub.s32 $0x0, s20;
	[sflag:s22] =	ssyncset.done $0x0  }
0xa3: {  	[sflag:s22] =	ssyncadd.s32 s7;
	_ =	sdelay $0x1  }
0xa4: {  	s23 =	simm.s32 $0x1B8B  }
0xa5: {  	_ =	swait.ge [sflag:s23], $0x1  }
0xa6: {  	[sflag:s23] =	ssyncset.done $0x0  }
0xa7: {  	s25 =	simm.s32 $0x1B8E;
	s24 =	sld [smem:$0x3FFE];
	[sflag:s23] =	ssyncadd.s32 $0xFFFFFFFF  }
0xa8: {  	s26 =	simm.s32 $execute0_lowered;
	[smem:$0x3FD2] =	sst s25  }
0xa9: {  	s8 =	sshll.u32 s26, $0x1;
	_ =	strace $0x80000046;
	[dreg:$0x1] =	wrdreg $0xFFFFFFFF  }
0xaa: {  	s28 =	simm.s32 $_size_execute0_lowered;
	s6 =	sadd.s32 s6, s8;
	[dreg:$0x0] =	wrdreg $0x0  }
0xab: {  	s8 =	sshll.u32 s28, $0x1;
	[dreg:$0x2] =	wrdreg s6  }
0xac: {  	[dreg:$0x3] =	wrdreg s8  }
0xad: {  	[dreg:$0x4] =	wrdreg $0xC0  }
0xae: {  	_ =	task [dreg:s10], $0x5FFFF  }
0xaf: {  	[dreg:$0x1] =	wrdreg $0xFFFFFFFF  }
0xb0: {  	[dreg:$0x0] =	wrdreg $0x60  }
0xb1: {  	[dreg:$0x2] =	wrdreg s24  }
0xb2: {  	[dreg:$0x3] =	wrdreg s18  }
0xb3: {  	[dreg:$0x4] =	wrdreg s4  }
0xb4: {  	[dreg:$0x5] =	wrdreg s5  }
0xb5: {  	[dreg:$0x6] =	wrdreg s2  }
0xb6: {  	[dreg:$0x7] =	wrdreg $0x9  }
0xb7: {  	_ =	task.clear_ibuf [dreg:s10], $0x8FFFF;
	_ =	strace $0x90000046  }
0xb8: {  	s29 =	simm.s32 $0x9;
	_ =	strace $0x80000048  }
0xb9: {  	_ =	swait.ge [sflag:s29], $0x1  }
0xba: {  	[sflag:s29] =	ssyncadd.s32 $0xFFFFFFFF  }
0xbb: {  	_ =	strace $0x90000048  }
0xbc: {  	_ =	sfence  }
0xbd: {  	s30 =	sld [smem:$0x0];
	_ =	sdelay $0x2  }
0xbe: {  	s31 =	sshll.u32 s1, $0xD;
	s1 =	sshrl.u32 s1, $0x2  }
0xbf: {  	s3 =	sand.u32 $0x4000, s31;
	s1 =	sadd.s32 s1, s30  }
0xc0: {  	s0 =	sor.u32 s3, s0;
	s1 =	sshll.u32 s1, $0x11  }
0xc1: {  	s0 =	sor.u32 s1, s0  }
0xc2: {  	s0 =	sadd.s32 $0x8F2B, s0  }
0xc3: {  	[sflag:s0] =	ssyncadd.remote.s32 $0x1  }
0xc4: {  	_ =	sfence.sel $0xFFFF  }
0xc5: {  	[dreg:$0x0] =	wrdreg $0xFFFFFFFF;
	(pc) =	sbr.abs _section_cstart, $3  }
0xc6: {  	[dreg:$0x1] =	wrdreg $0xFFFFFFFF  }
0xc7: {  	_ =	task.clear_ibuf [dreg:s10], $0x2FFFF;
	_ =	strace $0x9FFFFFFF  }
0xc8: {  	(tm) =	ssettm $0x7FFFFFFF  }
0xc9: {  	_ =	shalt  }
tec
execute0_lowered:
.L_overlay_start_1:
0x0: {  	(tag) =	ssettag $0x1  }
0x1: {  	s8 =	rddreg [dreg:$0x0];
	v2 =	vlaneseq.u32;
	v4 =	vimm.f32 $0.0e+00;
	v12 =	vimm.s32 $0xE3E2E1E0  }
0x2: {  	s2 =	rddreg [dreg:$0x2];
	v14 =	vimm.s32 $0x63626160;
	vm0 =	vcmask $0xF00;
	v20 =	vimm.s32 $0x1E84E3  }
0x3: {  	s1 =	srdreg.scid;
	s13 =	rddreg [dreg:$0x4];
	vm13 =	vcmask $0x300;
	vm14 =	vcmask $0x704;
	vm15 =	vcmask $0xB08  }
0x4: {  	s0 =	stileid.u32;
	s4 =	rddreg [dreg:$0x5];
	s5 =	simm.s32 $0x0;
	v3 =	vor.u32 $0x80, v2;
	v5 =	vor.u32 $0x90, v2;
	v6 =	vor.u32 $0x10, v2  }
0x5: {  	s9 =	simm.s32 $0x800;
	s6 =	sand.u32 $0x1, s1;
	s31 =	sshll.u32 s0, $0x1;
	v7 =	vor.u32 $0xA0, v2;
	v8 =	vor.u32 $0x20, v2;
	v9 =	vor.u32 $0xB0, v2  }
0x6: {  	v10 =	vor.u32 $0x30, v2;
	[smem:$0x7FF] =	sst s5;
	v11 =	vor.u32 $0xC0, v2;
	v15 =	vunpack.c.0.s8.s32 v12;
	s1 =	sor.u32 s6, s31;
	s10 =	ssub.s32 $0x2, s6  }
0x7: {  	v12 =	vor.u32 $0x40, v2;
	v17 =	vor.u32 $0x1E8480, v2;
	v18 =	vor.u32 $0x1E8490, v2;
	s7 =	smul.u32 $0x1E848, s1;
	s1 =	rddreg [dreg:$0x1];
	s11 =	sshrl.u32 s10, $0x1  }
0x8: {  	v13 =	vor.u32 $0xD0, v2;
	v19 =	vor.u32 $0x1E84A0, v2;
	v21 =	vsel vm13, $0x1E84E0, v20;
	s6 =	simm.s32 $0xC00;
	s15 =	ssub.s32 s10, s11;
	s10 =	sadd.s32 $0x80, s1  }
0x9: {  	v16 =	vunpack.c.0.s8.s32 v14;
	v20 =	vor.u32 $0x1E84B0, v2;
	v22 =	vor.u32 $0x1E84D0, v2;
	s11 =	sadd.s32 $0x80, s2;
	s3 =	sadd.s32 $0x1E848, s7;
	s14 =	sshrl.u32 s7, $0x3  }
0xa: {  	v23 =	vsel vm14, $0x1E84E1, v21;
	v0 =	vmov s7;
	v1 =	vmov s3;
	s3 =	rddreg [dreg:$0x3];
	_ =	strace $0x80000047;
	s7 =	sadd.s32 s14, s8  }
0xb: {  	v14 =	vor.u32 $0x50, v2;
	v21 =	vor.u32 $0x1E84C0, v2;
	v15 =	vand.u32 $0xFF, v15;
	s8 =	simm.s32 $0x400;
	s13 =	sadd.s32 s13, s14;
	s14 =	smax.u32 s15, $0x1  }
0xc: {  	v16 =	vnsel vm0, $0x63, v16;
	v23 =	vsel vm15, $0x1E84E2, v23;
	v15 =	vnsel vm0, $0xE3, v15;
	s15 =	simm.s32 $0x1;
	s7 =	sadd.s32 $0x400, s7;
	s12 =	sadd.s32 $0x80, s3  }
.LBB2_1:
0xd: {  	[tilespmem:s6], [sflag:$0x1] =	stream.linear.gather [hbm4b:s7+s5], $0x1E848, $0x38;
	[tilespmem:$0x1F480] =	vst v63  }
0xe: {  	_ =	swait.ge [sflag:s15], $0x1E848  }
0xf: {  	[sflag:s15] =	ssyncset.done $0x0  }
0x10: {  	[sflag:s15] =	ssyncadd.s32 $0xFFFE17B8  }
0x11: {  	[tilespmem:s5], [sflag:$0x1] =	stream.linear.gather [hbm4b:s1+s5], $0x400, $0x38;
	[tilespmem:$0x1F480] =	vst v63  }
0x12: {  	_ =	swait.ge [sflag:s15], $0x400  }
0x13: {  	[sflag:s15] =	ssyncset.done $0x0  }
0x14: {  	[sflag:s15] =	ssyncadd.s32 $0xFFFFFC00  }
0x15: {  	[tilespmem:s8], [sflag:$0x1] =	stream.linear.gather [hbm4b:s2+s5], $0x400, $0x38;
	[tilespmem:$0x1F480] =	vst v63  }
0x16: {  	_ =	swait.ge [sflag:s15], $0x400  }
0x17: {  	[sflag:s15] =	ssyncset.done $0x0  }
0x18: {  	[sflag:s15] =	ssyncadd.s32 $0xFFFFFC00  }
0x19: {  	[tilespmem:s9], [sflag:$0x1] =	stream.linear.gather [hbm4b:s3+s5], $0x400, $0x38;
	[tilespmem:$0x1F480] =	vst v63  }
0x1a: {  	_ =	swait.ge [sflag:s15], $0x400  }
0x1b: {  	[sflag:s15] =	ssyncset.done $0x0  }
0x1c: {  	[sflag:s15] =	ssyncadd.s32 $0xFFFFFC00  }
0x1d: {  	v24 =	vld.idx.msk [tilespmem:v3+s8+$0x0], $0xffff;
	_ =	sdelay $0x4  }
0x1e: {  	v25 =	vld.idx.msk [tilespmem:v2+s9+$0x0], $0xffff;
	v24 =	vmul.u32 $0x64, v24;
	_ =	sdelay $0x1  }
0x1f: {  	v26 =	vld.idx.msk [tilespmem:v3+s9+$0x0], $0xffff;
	v24 =	vadd.s32 v2, v24  }
0x20: {  	v27 =	vsub.s32 v24, v0  }
0x21: {  	v31 =	vld.idx.msk [tilespmem:v3+s5+$0x0], $0xffff;
	vm0 =	vge.s32 v24, v0;
	vm1 =	vlt.s32 v24, v1;
	vm2 =	vgt.s32 v27, $0x0  }
0x22: {  	vm11 =	veq.f32 v25, $0.0e+00;
	vm0 =	vmand vm0, vm1;
	v32 =	vnsel vm2, $0x0, v27  }
0x23: {  	v33 =	vsel vm11, $0x3F800000, v4;
	v25 =	vmin.u32 v32, $0x1E847  }
0x24: {  	v26 =	vmax.f32 v26, v33  }
0x25: {  	v26 =	vmin.f32 v26, $1.000000000e+00  }
0x26: {  	v24 =	vmul.f32 v26, v31;
	_ =	sdelay $0x1  }
0x27: {  	[tilespmem:v25+s6+$0x0] =	vst.idx.msk vm0, v24  }
0x28: {  	v24 =	vld.idx.msk [tilespmem:v5+s8+$0x0], $0xffff;
	_ =	sdelay $0x4  }
0x29: {  	v25 =	vld.idx.msk [tilespmem:v6+s9+$0x0], $0xffff;
	v24 =	vmul.u32 $0x64, v24;
	_ =	sdelay $0x1  }
0x2a: {  	v34 =	vld.idx.msk [tilespmem:v5+s9+$0x0], $0xffff;
	v24 =	vadd.s32 v6, v24  }
0x2b: {  	v35 =	vsub.s32 v24, v0  }
0x2c: {  	v36 =	vld.idx.msk [tilespmem:v5+s5+$0x0], $0xffff;
	vm12 =	vge.s32 v24, v0;
	vm13 =	vlt.s32 v24, v1;
	vm14 =	vgt.s32 v35, $0x0  }
0x2d: {  	vm15 =	veq.f32 v25, $0.0e+00;
	vm0 =	vmand vm12, vm13;
	v37 =	vnsel vm14, $0x0, v35  }
0x2e: {  	v38 =	vsel vm15, $0x3F800000, v4;
	v25 =	vmin.u32 v37, $0x1E847  }
0x2f: {  	v26 =	vmax.f32 v34, v38  }
0x30: {  	v26 =	vmin.f32 v26, $1.000000000e+00  }
0x31: {  	v24 =	vmul.f32 v26, v36;
	_ =	sdelay $0x1  }
0x32: {  	[tilespmem:v25+s6+$0x0] =	vst.idx.msk vm0, v24  }
0x33: {  	v24 =	vld.idx.msk [tilespmem:v7+s8+$0x0], $0xffff;
	_ =	sdelay $0x4  }
0x34: {  	v25 =	vld.idx.msk [tilespmem:v8+s9+$0x0], $0xffff;
	v24 =	vmul.u32 $0x64, v24;
	_ =	sdelay $0x1  }
0x35: {  	v39 =	vld.idx.msk [tilespmem:v7+s9+$0x0], $0xffff;
	v24 =	vadd.s32 v8, v24  }
0x36: {  	v40 =	vsub.s32 v24, v0  }
0x37: {  	v41 =	vld.idx.msk [tilespmem:v7+s5+$0x0], $0xffff;
	vm4 =	vge.s32 v24, v0;
	vm5 =	vlt.s32 v24, v1;
	vm6 =	vgt.s32 v40, $0x0  }
0x38: {  	vm7 =	veq.f32 v25, $0.0e+00;
	vm0 =	vmand vm4, vm5;
	v42 =	vnsel vm6, $0x0, v40  }
0x39: {  	v43 =	vsel vm7, $0x3F800000, v4;
	v25 =	vmin.u32 v42, $0x1E847  }
0x3a: {  	v26 =	vmax.f32 v39, v43  }
0x3b: {  	v26 =	vmin.f32 v26, $1.000000000e+00  }
0x3c: {  	v24 =	vmul.f32 v26, v41;
	_ =	sdelay $0x1  }
0x3d: {  	[tilespmem:v25+s6+$0x0] =	vst.idx.msk vm0, v24  }
0x3e: {  	v24 =	vld.idx.msk [tilespmem:v9+s8+$0x0], $0xffff;
	_ =	sdelay $0x4  }
0x3f: {  	v25 =	vld.idx.msk [tilespmem:v10+s9+$0x0], $0xffff;
	v24 =	vmul.u32 $0x64, v24;
	_ =	sdelay $0x1  }
0x40: {  	v44 =	vld.idx.msk [tilespmem:v9+s9+$0x0], $0xffff;
	v24 =	vadd.s32 v10, v24  }
0x41: {  	v45 =	vsub.s32 v24, v0  }
0x42: {  	v46 =	vld.idx.msk [tilespmem:v9+s5+$0x0], $0xffff;
	vm8 =	vge.s32 v24, v0;
	vm9 =	vlt.s32 v24, v1;
	vm10 =	vgt.s32 v45, $0x0  }
0x43: {  	vm11 =	veq.f32 v25, $0.0e+00;
	vm0 =	vmand vm8, vm9;
	v47 =	vnsel vm10, $0x0, v45  }
0x44: {  	v48 =	vsel vm11, $0x3F800000, v4;
	v25 =	vmin.u32 v47, $0x1E847  }
0x45: {  	v26 =	vmax.f32 v44, v48  }
0x46: {  	v26 =	vmin.f32 v26, $1.000000000e+00  }
0x47: {  	v24 =	vmul.f32 v26, v46;
	_ =	sdelay $0x1  }
0x48: {  	[tilespmem:v25+s6+$0x0] =	vst.idx.msk vm0, v24  }
0x49: {  	v24 =	vld.idx.msk [tilespmem:v11+s8+$0x0], $0xffff;
	_ =	sdelay $0x4  }
0x4a: {  	v25 =	vld.idx.msk [tilespmem:v12+s9+$0x0], $0xffff;
	v24 =	vmul.u32 $0x64, v24;
	_ =	sdelay $0x1  }
0x4b: {  	v49 =	vld.idx.msk [tilespmem:v11+s9+$0x0], $0xffff;
	v24 =	vadd.s32 v12, v24  }
0x4c: {  	v50 =	vsub.s32 v24, v0  }
0x4d: {  	v51 =	vld.idx.msk [tilespmem:v11+s5+$0x0], $0xffff;
	vm12 =	vge.s32 v24, v0;
	vm13 =	vlt.s32 v24, v1;
	vm14 =	vgt.s32 v50, $0x0  }
0x4e: {  	vm15 =	veq.f32 v25, $0.0e+00;
	vm0 =	vmand vm12, vm13;
	v52 =	vnsel vm14, $0x0, v50  }
0x4f: {  	v53 =	vsel vm15, $0x3F800000, v4;
	v25 =	vmin.u32 v52, $0x1E847  }
0x50: {  	v26 =	vmax.f32 v49, v53  }
0x51: {  	v26 =	vmin.f32 v26, $1.000000000e+00  }
0x52: {  	v24 =	vmul.f32 v26, v51;
	_ =	sdelay $0x1  }
0x53: {  	[tilespmem:v25+s6+$0x0] =	vst.idx.msk vm0, v24  }
0x54: {  	v24 =	vld.idx.msk [tilespmem:v13+s8+$0x0], $0xffff;
	_ =	sdelay $0x4  }
0x55: {  	v25 =	vld.idx.msk [tilespmem:v14+s9+$0x0], $0xffff;
	v24 =	vmul.u32 $0x64, v24;
	_ =	sdelay $0x1  }
0x56: {  	v54 =	vld.idx.msk [tilespmem:v13+s9+$0x0], $0xffff;
	v24 =	vadd.s32 v14, v24  }
0x57: {  	v55 =	vsub.s32 v24, v0  }
0x58: {  	v56 =	vld.idx.msk [tilespmem:v13+s5+$0x0], $0xffff;
	vm4 =	vge.s32 v24, v0;
	vm5 =	vlt.s32 v24, v1;
	vm6 =	vgt.s32 v55, $0x0  }
0x59: {  	vm7 =	veq.f32 v25, $0.0e+00;
	vm0 =	vmand vm4, vm5;
	v57 =	vnsel vm6, $0x0, v55  }
0x5a: {  	v58 =	vsel vm7, $0x3F800000, v4;
	v25 =	vmin.u32 v57, $0x1E847  }
0x5b: {  	v26 =	vmax.f32 v54, v58  }
0x5c: {  	v26 =	vmin.f32 v26, $1.000000000e+00  }
0x5d: {  	v24 =	vmul.f32 v26, v56;
	_ =	sdelay $0x1  }
0x5e: {  	[tilespmem:v25+s6+$0x0] =	vst.idx.msk vm0, v24  }
0x5f: {  	v24 =	vld.idx.msk [tilespmem:v15+s8+$0x0], $0xffff;
	_ =	sdelay $0x4  }
0x60: {  	v25 =	vld.idx.msk [tilespmem:v16+s9+$0x0], $0xffff;
	v24 =	vmul.u32 $0x64, v24;
	_ =	sdelay $0x1  }
0x61: {  	v59 =	vld.idx.msk [tilespmem:v15+s9+$0x0], $0xffff;
	v24 =	vadd.s32 v16, v24  }
0x62: {  	v60 =	vsub.s32 v24, v0  }
0x63: {  	v61 =	vld.idx.msk [tilespmem:v15+s5+$0x0], $0xffff;
	vm8 =	vge.s32 v24, v0;
	vm9 =	vlt.s32 v24, v1;
	vm10 =	vgt.s32 v60, $0x0  }
0x64: {  	vm11 =	veq.f32 v25, $0.0e+00;
	vm0 =	vmand vm8, vm9;
	v62 =	vnsel vm10, $0x0, v60  }
0x65: {  	v63 =	vsel vm11, $0x3F800000, v4;
	v25 =	vmin.u32 v62, $0x1E847  }
0x66: {  	v26 =	vmax.f32 v59, v63  }
0x67: {  	v26 =	vmin.f32 v26, $1.000000000e+00  }
0x68: {  	v24 =	vmul.f32 v26, v61;
	_ =	sdelay $0x1  }
0x69: {  	[tilespmem:v25+s6+$0x0] =	vst.idx.msk vm0, v24  }
0x6a: {  	[tilespmem:s5], [sflag:$0x1] =	stream.linear.gather [hbm4b:s10+s5], $0x400, $0x38;
	[tilespmem:$0x1F480] =	vst v63  }
0x6b: {  	_ =	swait.ge [sflag:s15], $0x400  }
0x6c: {  	[sflag:s15] =	ssyncset.done $0x0  }
0x6d: {  	[sflag:s15] =	ssyncadd.s32 $0xFFFFFC00  }
0x6e: {  	[tilespmem:s8], [sflag:$0x1] =	stream.linear.gather [hbm4b:s11+s5], $0x400, $0x38;
	[tilespmem:$0x1F480] =	vst v63  }
0x6f: {  	_ =	swait.ge [sflag:s15], $0x400  }
0x70: {  	[sflag:s15] =	ssyncset.done $0x0  }
0x71: {  	[sflag:s15] =	ssyncadd.s32 $0xFFFFFC00  }
0x72: {  	[tilespmem:s9], [sflag:$0x1] =	stream.linear.gather [hbm4b:s12+s5], $0x400, $0x38;
	[tilespmem:$0x1F480] =	vst v63  }
0x73: {  	_ =	swait.ge [sflag:s15], $0x400  }
0x74: {  	[sflag:s15] =	ssyncset.done $0x0  }
0x75: {  	[sflag:s15] =	ssyncadd.s32 $0xFFFFFC00  }
0x76: {  	v29 =	vld.idx.msk [tilespmem:v3+s8+$0x0], $0xffff;
	_ =	sdelay $0x4  }
0x77: {  	v30 =	vld.idx.msk [tilespmem:v2+s9+$0x0], $0xffff;
	v24 =	vmul.u32 $0x64, v29;
	_ =	sdelay $0x1  }
0x78: {  	v31 =	vld.idx.msk [tilespmem:v3+s9+$0x0], $0xffff;
	v24 =	vadd.s32 v17, v24  }
0x79: {  	v32 =	vsub.s32 v24, v0  }
0x7a: {  	v33 =	vld.idx.msk [tilespmem:v3+s5+$0x0], $0xffff;
	vm12 =	vge.s32 v24, v0;
	vm13 =	vlt.s32 v24, v1;
	vm14 =	vgt.s32 v32, $0x0  }
0x7b: {  	vm15 =	veq.f32 v30, $0.0e+00;
	vm0 =	vmand vm12, vm13;
	v34 =	vnsel vm14, $0x0, v32  }
0x7c: {  	v35 =	vsel vm15, $0x3F800000, v4;
	v25 =	vmin.u32 v34, $0x1E847  }
0x7d: {  	v26 =	vmax.f32 v31, v35  }
0x7e: {  	v26 =	vmin.f32 v26, $1.000000000e+00  }
0x7f: {  	v24 =	vmul.f32 v26, v33;
	_ =	sdelay $0x1  }
0x80: {  	[tilespmem:v25+s6+$0x0] =	vst.idx.msk vm0, v24  }
0x81: {  	v24 =	vld.idx.msk [tilespmem:v5+s8+$0x0], $0xffff;
	_ =	sdelay $0x4  }
0x82: {  	v25 =	vld.idx.msk [tilespmem:v6+s9+$0x0], $0xffff;
	v24 =	vmul.u32 $0x64, v24;
	_ =	sdelay $0x1  }
0x83: {  	v36 =	vld.idx.msk [tilespmem:v5+s9+$0x0], $0xffff;
	v24 =	vadd.s32 v18, v24  }
0x84: {  	v37 =	vsub.s32 v24, v0  }
0x85: {  	v38 =	vld.idx.msk [tilespmem:v5+s5+$0x0], $0xffff;
	vm4 =	vge.s32 v24, v0;
	vm5 =	vlt.s32 v24, v1;
	vm6 =	vgt.s32 v37, $0x0  }
0x86: {  	vm7 =	veq.f32 v25, $0.0e+00;
	vm0 =	vmand vm4, vm5;
	v39 =	vnsel vm6, $0x0, v37  }
0x87: {  	v40 =	vsel vm7, $0x3F800000, v4;
	v25 =	vmin.u32 v39, $0x1E847  }
0x88: {  	v26 =	vmax.f32 v36, v40  }
0x89: {  	v26 =	vmin.f32 v26, $1.000000000e+00  }
0x8a: {  	v24 =	vmul.f32 v26, v38;
	_ =	sdelay $0x1  }
0x8b: {  	[tilespmem:v25+s6+$0x0] =	vst.idx.msk vm0, v24  }
0x8c: {  	v24 =	vld.idx.msk [tilespmem:v7+s8+$0x0], $0xffff;
	_ =	sdelay $0x4  }
0x8d: {  	v25 =	vld.idx.msk [tilespmem:v8+s9+$0x0], $0xffff;
	v24 =	vmul.u32 $0x64, v24;
	_ =	sdelay $0x1  }
0x8e: {  	v41 =	vld.idx.msk [tilespmem:v7+s9+$0x0], $0xffff;
	v24 =	vadd.s32 v19, v24  }
0x8f: {  	v42 =	vsub.s32 v24, v0  }
0x90: {  	v43 =	vld.idx.msk [tilespmem:v7+s5+$0x0], $0xffff;
	vm8 =	vge.s32 v24, v0;
	vm9 =	vlt.s32 v24, v1;
	vm10 =	vgt.s32 v42, $0x0  }
0x91: {  	vm11 =	veq.f32 v25, $0.0e+00;
	vm0 =	vmand vm8, vm9;
	v44 =	vnsel vm10, $0x0, v42  }
0x92: {  	v45 =	vsel vm11, $0x3F800000, v4;
	v25 =	vmin.u32 v44, $0x1E847  }
0x93: {  	v26 =	vmax.f32 v41, v45  }
0x94: {  	v26 =	vmin.f32 v26, $1.000000000e+00  }
0x95: {  	v24 =	vmul.f32 v26, v43;
	_ =	sdelay $0x1  }
0x96: {  	[tilespmem:v25+s6+$0x0] =	vst.idx.msk vm0, v24  }
0x97: {  	v24 =	vld.idx.msk [tilespmem:v9+s8+$0x0], $0xffff;
	_ =	sdelay $0x4  }
0x98: {  	v25 =	vld.idx.msk [tilespmem:v10+s9+$0x0], $0xffff;
	v24 =	vmul.u32 $0x64, v24;
	_ =	sdelay $0x1  }
0x99: {  	v46 =	vld.idx.msk [tilespmem:v9+s9+$0x0], $0xffff;
	v24 =	vadd.s32 v20, v24  }
0x9a: {  	v47 =	vsub.s32 v24, v0  }
0x9b: {  	v48 =	vld.idx.msk [tilespmem:v9+s5+$0x0], $0xffff;
	vm12 =	vge.s32 v24, v0;
	vm13 =	vlt.s32 v24, v1;
	vm14 =	vgt.s32 v47, $0x0  }
0x9c: {  	vm15 =	veq.f32 v25, $0.0e+00;
	vm0 =	vmand vm12, vm13;
	v49 =	vnsel vm14, $0x0, v47  }
0x9d: {  	v50 =	vsel vm15, $0x3F800000, v4;
	v25 =	vmin.u32 v49, $0x1E847  }
0x9e: {  	v26 =	vmax.f32 v46, v50  }
0x9f: {  	v26 =	vmin.f32 v26, $1.000000000e+00  }
0xa0: {  	v24 =	vmul.f32 v26, v48;
	_ =	sdelay $0x1  }
0xa1: {  	[tilespmem:v25+s6+$0x0] =	vst.idx.msk vm0, v24  }
0xa2: {  	v24 =	vld.idx.msk [tilespmem:v11+s8+$0x0], $0xffff;
	_ =	sdelay $0x4  }
0xa3: {  	v25 =	vld.idx.msk [tilespmem:v12+s9+$0x0], $0xffff;
	v24 =	vmul.u32 $0x64, v24;
	_ =	sdelay $0x1  }
0xa4: {  	v51 =	vld.idx.msk [tilespmem:v11+s9+$0x0], $0xffff;
	v24 =	vadd.s32 v21, v24  }
0xa5: {  	v52 =	vsub.s32 v24, v0  }
0xa6: {  	v53 =	vld.idx.msk [tilespmem:v11+s5+$0x0], $0xffff;
	vm4 =	vge.s32 v24, v0;
	vm5 =	vlt.s32 v24, v1;
	vm6 =	vgt.s32 v52, $0x0  }
0xa7: {  	vm7 =	veq.f32 v25, $0.0e+00;
	vm0 =	vmand vm4, vm5;
	v54 =	vnsel vm6, $0x0, v52  }
0xa8: {  	v55 =	vsel vm7, $0x3F800000, v4;
	v25 =	vmin.u32 v54, $0x1E847  }
0xa9: {  	v26 =	vmax.f32 v51, v55  }
0xaa: {  	v26 =	vmin.f32 v26, $1.000000000e+00  }
0xab: {  	v24 =	vmul.f32 v26, v53;
	_ =	sdelay $0x1  }
0xac: {  	[tilespmem:v25+s6+$0x0] =	vst.idx.msk vm0, v24  }
0xad: {  	v24 =	vld.idx.msk [tilespmem:v13+s8+$0x0], $0xffff;
	_ =	sdelay $0x4  }
0xae: {  	v25 =	vld.idx.msk [tilespmem:v14+s9+$0x0], $0xffff;
	v24 =	vmul.u32 $0x64, v24;
	_ =	sdelay $0x1  }
0xaf: {  	v56 =	vld.idx.msk [tilespmem:v13+s9+$0x0], $0xffff;
	v24 =	vadd.s32 v22, v24  }
0xb0: {  	v57 =	vsub.s32 v24, v0  }
0xb1: {  	v58 =	vld.idx.msk [tilespmem:v13+s5+$0x0], $0xffff;
	vm8 =	vge.s32 v24, v0;
	vm9 =	vlt.s32 v24, v1;
	vm10 =	vgt.s32 v57, $0x0  }
0xb2: {  	vm11 =	veq.f32 v25, $0.0e+00;
	vm0 =	vmand vm8, vm9;
	v59 =	vnsel vm10, $0x0, v57  }
0xb3: {  	v60 =	vsel vm11, $0x3F800000, v4;
	v25 =	vmin.u32 v59, $0x1E847  }
0xb4: {  	v26 =	vmax.f32 v56, v60  }
0xb5: {  	v26 =	vmin.f32 v26, $1.000000000e+00  }
0xb6: {  	v24 =	vmul.f32 v26, v58;
	_ =	sdelay $0x1  }
0xb7: {  	[tilespmem:v25+s6+$0x0] =	vst.idx.msk vm0, v24  }
0xb8: {  	v24 =	vld.idx.msk [tilespmem:v15+s8+$0x0], $0xffff;
	_ =	sdelay $0x4  }
0xb9: {  	v25 =	vld.idx.msk [tilespmem:v16+s9+$0x0], $0xffff;
	v24 =	vmul.u32 $0x64, v24;
	_ =	sdelay $0x1  }
0xba: {  	v61 =	vld.idx.msk [tilespmem:v15+s9+$0x0], $0xffff;
	v24 =	vadd.s32 v23, v24  }
0xbb: {  	v62 =	vsub.s32 v24, v0  }
0xbc: {  	v63 =	vld.idx.msk [tilespmem:v15+s5+$0x0], $0xffff;
	vm12 =	vge.s32 v24, v0;
	vm13 =	vlt.s32 v24, v1;
	vm14 =	vgt.s32 v62, $0x0  }
0xbd: {  	vm15 =	veq.f32 v25, $0.0e+00;
	vm0 =	vmand vm12, vm13;
	v27 =	vnsel vm14, $0x0, v62  }
0xbe: {  	v25 =	vsel vm15, $0x3F800000, v4;
	v27 =	vmin.u32 v27, $0x1E847  }
0xbf: {  	v25 =	vmax.f32 v61, v25  }
0xc0: {  	v25 =	vmin.f32 v25, $1.000000000e+00  }
0xc1: {  	v24 =	vmul.f32 v25, v63  }
0xc2: {  	p0 =	sne.s32 s14, $0x1  }
.Ltmp0:
0xc3: {  	[tilespmem:v27+s6+$0x0] =	vst.idx.msk vm0, v24;
	(pc) =	sbr.rel @p0 .LBB2_1-.Ltmp0, $4  }
0xc4: {  	[hbm4b:s13+s5] =	stream.linear.scatter [tilespmem:s6], [sflag:$0x1], $0x1E848, $0x38;
	[tilespmem:$0x1F480] =	vst v63  }
0xc5: {  	_ =	swait.ge [sflag:s15], $0x1E848  }
0xc6: {  	[sflag:s15] =	ssyncset.done $0x0  }
0xc7: {  	s14 =	sadd.s32 $0xFFFFFFFF, s14;
	[sflag:s15] =	ssyncadd.s32 $0xFFFE17B8  }
0xc8: {  	_ =	sfence.sel $0x180000  }
0xc9: {  	[bflag:$0x0] =	sbarrier.arrive $0xFFFF  }
0xca: {  	p0 =	sne.s32 s0, $0x0;
	_ =	strace $0x90000047  }
0xcb: {  	s0 =	sadd.s32 @!p0 $0x100000, s4;
	[bflag:$0x2] =	sbarrier.arrive $0xFFFF  }
0xcc: {  	[sflag:s0] =	ssyncadd.tile.s32 @!p0 $0x1;
	_ =	shalt  }
.Lfunc_end2:
_tile_overlayer_lowered:
.L_overlay_start_2:
0xcd: {  	(tag) =	ssettag $0x2  }
0xce: {  	s0 =	rddreg [dreg:$0x0];
	s2 =	stileid.u32  }
0xcf: {  	s1 =	rddreg [dreg:$0x1];
	p0 =	sne.s32 s2, $0x0  }
0xd0: {  	s3 =	rddreg [dreg:$0x2];
	[bflag:$0x3] =	sbarrier.arrive $0xFFFF;
	s2 =	simm.s32 @!p0 $0x1C01  }
0xd1: {  	[timem:s3], [sflag:s2] =	dma.local @!p0 [hbm:s0], s1  }
0xd2: {  	s0 =	simm.s32 @!p0 $0x1  }
0xd3: {  	_ =	swait.ge @!p0 [sflag:s0], s1  }
0xd4: {  	s1 =	ssub.s32 @!p0 $0x0, s1;
	[sflag:s0] =	ssyncset.done @!p0 $0x0  }
0xd5: {  	[sflag:s0] =	ssyncadd.s32 @!p0 s1  }
0xd6: {  	[bflag:$0x3] =	sbarrier.arrive $0xFFFF  }
0xd7: {  	_ =	shalt  }

</sc_bundles>
